<compile_context>
chip_gen: v7x
topology: tpu7x:2x2x1
jax: 0.10.2.dev20260603
libtpu: 0.0.44.dev20260713+nightly
codegen_flags: <defaults>
</compile_context>

<pallas_src>
import functools

import jax
import jax.numpy as jnp
from jax import lax
from jax.experimental import pallas as pl
from jax.experimental.pallas import tpu as pltpu
from jax.experimental.pallas import tpu_sc as plsc

_B = 2
_V = 4
_P = 2048
_S = 49152
_C = 64
_NVAR = 8

_NW = 32
_NSLOT = _B * _V
_LANES = 16
_UNROLL = 16
_GRPS = _P // _LANES
_PAD = 127


def _make_sc_gather():
    info = plsc.get_sparse_core_info()
    nc = info.num_cores

    mesh = plsc.VectorSubcoreMesh(core_axis_name="c", subcore_axis_name="s")

    @functools.partial(
        pl.kernel,
        mesh=mesh,
        compiler_params=pltpu.CompilerParams(needs_layout_passes=False),
        out_type=jax.ShapeDtypeStruct((_NSLOT * _C, _P), jnp.float32),
        scratch_types=[
            pltpu.VMEM((_B, _P), jnp.int32),
            pltpu.VMEM((_LANES,), jnp.int32),
            pltpu.VMEM((2, _S), jnp.float32),
            pltpu.VMEM((2, _P), jnp.float32),
            pltpu.SemaphoreType.DMA,
            pltpu.SemaphoreType.DMA,
        ],
    )
    def gather_kernel(varp_hbm, patch_hbm, table_hbm, out_hbm,
                      patch_v, varp_v, row_v, out_v, sem_in, sem_out):
        wid = lax.axis_index("s") * nc + lax.axis_index("c")
        pltpu.sync_copy(patch_hbm, patch_v)
        pltpu.sync_copy(varp_hbm, varp_v)
        lanes = lax.iota(jnp.int32, _LANES)
        var_vec = varp_v[...]

        first = lanes
        for t in range(_NSLOT - 1, -1, -1):
            vt = lax.reduce_max(
                jnp.where(lanes == t, var_vec, -1), axes=(0,))
            first = jnp.where(var_vec == vt, t, first)
        is_leader = jnp.logical_and(first == lanes, lanes < _NSLOT)
        pos = plsc.cumsum(jnp.where(is_leader, 1, 0).astype(jnp.int32)) - 1
        d_cnt = lax.reduce_max(pos, axes=(0,)) + 1
        nrows = (d_cnt * _C) // _NW

        def rowid(k):
            r = wid + _NW * k
            d = r // _C
            c = lax.rem(r, _C)
            sel = jnp.logical_and(pos == d, is_leader)
            uvar = lax.reduce_max(
                jnp.where(sel, var_vec, -1), axes=(0,))
            return d, c, uvar

        def start_row(k, buf):
            _, c, uvar = rowid(k)
            pltpu.make_async_copy(
                table_hbm.at[pl.ds(uvar * _C + c, 1)],
                row_v.at[pl.ds(buf, 1)], sem_in).start()

        start_row(0, 0)
        start_row(1, 1)

        lane_b = lanes // _V

        def drain(n):
            def w_body(i, cw):
                pltpu.make_async_copy(
                    out_v.at[pl.ds(0, 1)], out_hbm.at[pl.ds(0, 1)],
                    sem_out).wait()
                return cw

            lax.fori_loop(0, n, w_body, 0)

        def row_body(k, carry):
            g_cnt, p0, p1 = carry
            d, c, uvar = rowid(k)
            buf = lax.rem(k, 2)
            bufv = jnp.full((_LANES,), buf, jnp.int32)
            pltpu.make_async_copy(
                table_hbm.at[pl.ds(0, 1)], row_v.at[pl.ds(buf, 1)],
                sem_in).wait()
            match = var_vec == uvar
            match_i = jnp.where(match, 1, 0).astype(jnp.int32)
            n0 = jnp.sum(match_i * jnp.where(lane_b == 0, 1, 0))
            n1 = jnp.sum(match_i) - n0
            n_og = jnp.where(n0 > 0, 1, 0) + jnp.where(n1 > 0, 1, 0)

            def og_body(j2, carry2):
                g2, q0, q1 = carry2
                first_is0 = jnp.logical_and(j2 == 0, n0 > 0)
                bb = jnp.where(first_is0, 0, 1)
                n_b = jnp.where(first_is0, n0, n1)
                par = lax.rem(g2, 2)
                pend = jnp.where(par == 0, q0, q1)
                drain(pend)
                mask2_i = match_i * jnp.where(lane_b == bb, 1, 0)
                rank2 = plsc.cumsum(mask2_i) - 1

                @plsc.parallel_loop(0, _GRPS, step=1, unroll=_UNROLL)
                def _gather(g):
                    o = g * _LANES
                    idx = patch_v[bb, pl.ds(o, _LANES)]
                    out_v[par, pl.ds(o, _LANES)] = plsc.load_gather(
                        row_v, [bufv, idx])

                def cp_body(jj, cw):
                    slot = lax.reduce_max(
                        jnp.where(
                            jnp.logical_and(mask2_i > 0, rank2 == jj),
                            lanes, -1), axes=(0,))
                    pltpu.make_async_copy(
                        out_v.at[pl.ds(par, 1)],
                        out_hbm.at[pl.ds(slot * _C + c, 1)],
                        sem_out).start()
                    return cw

                lax.fori_loop(0, n_b, cp_body, 0)
                q0 = jnp.where(par == 0, n_b, q0)
                q1 = jnp.where(par == 1, n_b, q1)
                return g2 + 1, q0, q1

            g_cnt, p0, p1 = lax.fori_loop(
                0, n_og, og_body, (g_cnt, p0, p1))

            @pl.when(k + 2 < nrows)
            def _():
                start_row(k + 2, buf)

            return g_cnt, p0, p1

        _, p0, p1 = lax.fori_loop(0, nrows, row_body, (0, 0, 0))
        drain(p0 + p1)

    return gather_kernel


def kernel(var_indices, patch_idx, mg_embedding):
    table = jnp.transpose(mg_embedding, (0, 2, 1)).reshape(_NVAR * _C, _S)
    var_flat = var_indices.reshape(-1).astype(jnp.int32)
    varp = jnp.concatenate(
        [var_flat, jnp.full((_LANES - _NSLOT,), _PAD, jnp.int32)])
    patch2 = patch_idx.reshape(_B, _P).astype(jnp.int32)
    out = _make_sc_gather()(varp, patch2, table)
    return jnp.transpose(
        out.reshape(_B, _V, _C, _P), (0, 1, 3, 2))[:, :, None, :, :]

# --- scband reference (transcript-rebuilt; emitter-appended) ---
"""Pipeline reference for scband-mgembedder-37185826849213 (READ-ONLY COPY).

The authoritative reference and input builder live on the scoring server;
editing this copy changes nothing except your own understanding.
"""

import jax, jax.numpy as jnp
import numpy as np

N_VARIABLES = 8
S_CELLS = 49152  # 12 * 4**6 (zoom=6 healpix)
EMBED_DIM = 64
B = 2
V = 4
P = 2048


def setup_inputs(seed: int = 0) -> dict:
    key = jax.random.key(seed)
    k1, k2, k3 = jax.random.split(key, 3)
    var_indices = jax.random.randint(k1, (B, V), 0, N_VARIABLES, dtype=jnp.int64 if jax.config.jax_enable_x64 else jnp.int32)
    patch_idx = jax.random.randint(k2, (B, P), 0, S_CELLS, dtype=jnp.int64 if jax.config.jax_enable_x64 else jnp.int32)
    mg_embedding = jax.random.normal(k3, (N_VARIABLES, S_CELLS, EMBED_DIM), dtype=jnp.float32)
    return {"var_indices": var_indices, "patch_idx": patch_idx, "mg_embedding": mg_embedding}


def reference(var_indices, patch_idx, mg_embedding):
    # get_embeddings_from_var_idx: mg_embedding[var_indices] -> (b, v, S, c)
    embs = jnp.take(mg_embedding, var_indices, axis=0)
    # get_patch: idx from grid_layer.get_idx_of_patch, viewed as (b, 1, P, 1)
    idx = patch_idx[:, None, :, None]
    idx = jnp.broadcast_to(idx, (embs.shape[0], embs.shape[1], idx.shape[2], embs.shape[3]))
    # torch.gather(embs, dim=-2, index=idx_expanded)
    embs = jnp.take_along_axis(embs, idx, axis=-2)
    # unsqueeze time dim -> (b, v, 1, P, c)
    embs = embs[:, :, None, :, :]
    return embs

if __name__ == "__main__":
    import jax
    _d = setup_inputs()
    print(jax.jit(kernel)(*tuple(_d.values())))

</pallas_src>

<mosaic_0001>
#map = affine_map<(d0, d1) -> (0)>
#map1 = affine_map<(d0, d1) -> (0, 0)>
module attributes {stable_mosaic.version = 14 : i64} {
  func.func @gather_kernel(%arg0: i32, %arg1: i32, %arg2: memref<16xi32, #tpu.memory_space<hbm>>, %arg3: memref<2x2048xi32, #tpu.memory_space<hbm>>, %arg4: memref<512x49152xf32, #tpu.memory_space<hbm>>, %arg5: memref<512x2048xf32, #tpu.memory_space<hbm>>, %arg6: memref<2x2048xi32, #tpu.memory_space<vmem>>, %arg7: memref<16xi32, #tpu.memory_space<vmem>>, %arg8: memref<2x49152xf32, #tpu.memory_space<vmem>>, %arg9: memref<2x2048xf32, #tpu.memory_space<vmem>>, %arg10: memref<!tpu.dma_semaphore, #tpu.memory_space<semaphore_mem>>, %arg11: memref<!tpu.dma_semaphore, #tpu.memory_space<semaphore_mem>>) attributes {dimension_semantics = [#tpu.dimension_semantics<core_parallel>, #tpu.dimension_semantics<subcore_parallel>], iteration_bounds = array<i64: 2, 16>, scalar_prefetch = 0 : i64, scratch_operands = 6 : i64, tpu.core_type = #tpu.core_type<sc_vector_subcore>, window_params = [{transform_indices = #map}, {transform_indices = #map1}, {transform_indices = #map1}, {transform_indices = #map1}]} {
    %mul3A = arith.constant 2 : i32
    %mul3A_0 = arith.muli %arg1, %mul3A : i32
    %add3A = arith.addi %mul3A_0, %arg0 : i32
    "tpu.region"() ({
      %run_scoped3A = tpu.sem_alloc : memref<!tpu.dma_semaphore, #tpu.memory_space<semaphore_mem>>
      tpu.enqueue_dma source(%arg3 : memref<2x2048xi32, #tpu.memory_space<hbm>>) target(%arg6 : memref<2x2048xi32, #tpu.memory_space<vmem>>) target_semaphore(%run_scoped3A : memref<!tpu.dma_semaphore, #tpu.memory_space<semaphore_mem>>)
      tpu.wait_dma2 semaphore(%run_scoped3A : memref<!tpu.dma_semaphore, #tpu.memory_space<semaphore_mem>>) src(%arg3 : memref<2x2048xi32, #tpu.memory_space<hbm>>) dst(%arg6 : memref<2x2048xi32, #tpu.memory_space<vmem>>)
      tpu.yield
    }) : () -> ()
    "tpu.region"() ({
      %run_scoped3A = tpu.sem_alloc : memref<!tpu.dma_semaphore, #tpu.memory_space<semaphore_mem>>
      tpu.enqueue_dma source(%arg2 : memref<16xi32, #tpu.memory_space<hbm>>) target(%arg7 : memref<16xi32, #tpu.memory_space<vmem>>) target_semaphore(%run_scoped3A : memref<!tpu.dma_semaphore, #tpu.memory_space<semaphore_mem>>)
      tpu.wait_dma2 semaphore(%run_scoped3A : memref<!tpu.dma_semaphore, #tpu.memory_space<semaphore_mem>>) src(%arg2 : memref<16xi32, #tpu.memory_space<hbm>>) dst(%arg7 : memref<16xi32, #tpu.memory_space<vmem>>)
      tpu.yield
    }) : () -> ()
    %iota3A = tpu.iota {dimensions = array<i32: 0>} : vector<16xi32>
    %get3A = arith.constant 0 : index
    %get3A_1 = tpu.vector_load %arg7[%get3A] {strides = array<i32>} : memref<16xi32, #tpu.memory_space<vmem>>, vector<16xi32>,
    %eq3A = arith.constant 7 : i32
    %eq3A_2 = vector.broadcast %eq3A : i32 to vector<16xi32>
    %eq3A_3 = arith.cmpi eq, %iota3A, %eq3A_2 : vector<16xi32>
    %jit3A = arith.constant -1 : i32
    %broadcast_in_dim3A = vector.broadcast %jit3A : i32 to vector<16xi32>
    %select_n3A = arith.select %eq3A_3, %get3A_1, %broadcast_in_dim3A : vector<16xi1>, vector<16xi32>
    %reduce_max3A = arith.constant true
    %reduce_max3A_4 = vector.broadcast %reduce_max3A : i1 to vector<16xi1>
    %reduce_max3A_5 = arith.constant -2147483648 : i32
    %reduce_max3A_6 = vector.broadcast %reduce_max3A_5 : i32 to vector<16xi32>
    %reduce_max3A_7 = arith.xori %select_n3A, %reduce_max3A_6 : vector<16xi32>
    %reduce_max3A_8 = tpu.scan <max>, %reduce_max3A_7 masked %reduce_max3A_4 : vector<16xi32>, vector<16xi1> -> vector<16xi32>
    %reduce_max3A_9 = arith.xori %reduce_max3A_8, %reduce_max3A_6 : vector<16xi32>
    %reduce_max3A_10 = vector.extract %reduce_max3A_9[15] : i32 from vector<16xi32>
    %eq3A_11 = vector.broadcast %reduce_max3A_10 : i32 to vector<16xi32>
    %eq3A_12 = arith.cmpi eq, %get3A_1, %eq3A_11 : vector<16xi32>
    %jit3A_13 = arith.constant 7 : i32
    %broadcast_in_dim3A_14 = vector.broadcast %jit3A_13 : i32 to vector<16xi32>
    %select_n3A_15 = arith.select %eq3A_12, %broadcast_in_dim3A_14, %iota3A : vector<16xi1>, vector<16xi32>
    %eq3A_16 = arith.constant 6 : i32
    %eq3A_17 = vector.broadcast %eq3A_16 : i32 to vector<16xi32>
    %eq3A_18 = arith.cmpi eq, %iota3A, %eq3A_17 : vector<16xi32>
    %jit3A_19 = arith.constant -1 : i32
    %broadcast_in_dim3A_20 = vector.broadcast %jit3A_19 : i32 to vector<16xi32>
    %select_n3A_21 = arith.select %eq3A_18, %get3A_1, %broadcast_in_dim3A_20 : vector<16xi1>, vector<16xi32>
    %reduce_max3A_22 = arith.constant true
    %reduce_max3A_23 = vector.broadcast %reduce_max3A_22 : i1 to vector<16xi1>
    %reduce_max3A_24 = arith.constant -2147483648 : i32
    %reduce_max3A_25 = vector.broadcast %reduce_max3A_24 : i32 to vector<16xi32>
    %reduce_max3A_26 = arith.xori %select_n3A_21, %reduce_max3A_25 : vector<16xi32>
    %reduce_max3A_27 = tpu.scan <max>, %reduce_max3A_26 masked %reduce_max3A_23 : vector<16xi32>, vector<16xi1> -> vector<16xi32>
    %reduce_max3A_28 = arith.xori %reduce_max3A_27, %reduce_max3A_25 : vector<16xi32>
    %reduce_max3A_29 = vector.extract %reduce_max3A_28[15] : i32 from vector<16xi32>
    %eq3A_30 = vector.broadcast %reduce_max3A_29 : i32 to vector<16xi32>
    %eq3A_31 = arith.cmpi eq, %get3A_1, %eq3A_30 : vector<16xi32>
    %jit3A_32 = arith.constant 6 : i32
    %broadcast_in_dim3A_33 = vector.broadcast %jit3A_32 : i32 to vector<16xi32>
    %select_n3A_34 = arith.select %eq3A_31, %broadcast_in_dim3A_33, %select_n3A_15 : vector<16xi1>, vector<16xi32>
    %eq3A_35 = arith.constant 5 : i32
    %eq3A_36 = vector.broadcast %eq3A_35 : i32 to vector<16xi32>
    %eq3A_37 = arith.cmpi eq, %iota3A, %eq3A_36 : vector<16xi32>
    %jit3A_38 = arith.constant -1 : i32
    %broadcast_in_dim3A_39 = vector.broadcast %jit3A_38 : i32 to vector<16xi32>
    %select_n3A_40 = arith.select %eq3A_37, %get3A_1, %broadcast_in_dim3A_39 : vector<16xi1>, vector<16xi32>
    %reduce_max3A_41 = arith.constant true
    %reduce_max3A_42 = vector.broadcast %reduce_max3A_41 : i1 to vector<16xi1>
    %reduce_max3A_43 = arith.constant -2147483648 : i32
    %reduce_max3A_44 = vector.broadcast %reduce_max3A_43 : i32 to vector<16xi32>
    %reduce_max3A_45 = arith.xori %select_n3A_40, %reduce_max3A_44 : vector<16xi32>
    %reduce_max3A_46 = tpu.scan <max>, %reduce_max3A_45 masked %reduce_max3A_42 : vector<16xi32>, vector<16xi1> -> vector<16xi32>
    %reduce_max3A_47 = arith.xori %reduce_max3A_46, %reduce_max3A_44 : vector<16xi32>
    %reduce_max3A_48 = vector.extract %reduce_max3A_47[15] : i32 from vector<16xi32>
    %eq3A_49 = vector.broadcast %reduce_max3A_48 : i32 to vector<16xi32>
    %eq3A_50 = arith.cmpi eq, %get3A_1, %eq3A_49 : vector<16xi32>
    %jit3A_51 = arith.constant 5 : i32
    %broadcast_in_dim3A_52 = vector.broadcast %jit3A_51 : i32 to vector<16xi32>
    %select_n3A_53 = arith.select %eq3A_50, %broadcast_in_dim3A_52, %select_n3A_34 : vector<16xi1>, vector<16xi32>
    %eq3A_54 = arith.constant 4 : i32
    %eq3A_55 = vector.broadcast %eq3A_54 : i32 to vector<16xi32>
    %eq3A_56 = arith.cmpi eq, %iota3A, %eq3A_55 : vector<16xi32>
    %jit3A_57 = arith.constant -1 : i32
    %broadcast_in_dim3A_58 = vector.broadcast %jit3A_57 : i32 to vector<16xi32>
    %select_n3A_59 = arith.select %eq3A_56, %get3A_1, %broadcast_in_dim3A_58 : vector<16xi1>, vector<16xi32>
    %reduce_max3A_60 = arith.constant true
    %reduce_max3A_61 = vector.broadcast %reduce_max3A_60 : i1 to vector<16xi1>
    %reduce_max3A_62 = arith.constant -2147483648 : i32
    %reduce_max3A_63 = vector.broadcast %reduce_max3A_62 : i32 to vector<16xi32>
    %reduce_max3A_64 = arith.xori %select_n3A_59, %reduce_max3A_63 : vector<16xi32>
    %reduce_max3A_65 = tpu.scan <max>, %reduce_max3A_64 masked %reduce_max3A_61 : vector<16xi32>, vector<16xi1> -> vector<16xi32>
    %reduce_max3A_66 = arith.xori %reduce_max3A_65, %reduce_max3A_63 : vector<16xi32>
    %reduce_max3A_67 = vector.extract %reduce_max3A_66[15] : i32 from vector<16xi32>
    %eq3A_68 = vector.broadcast %reduce_max3A_67 : i32 to vector<16xi32>
    %eq3A_69 = arith.cmpi eq, %get3A_1, %eq3A_68 : vector<16xi32>
    %jit3A_70 = arith.constant 4 : i32
    %broadcast_in_dim3A_71 = vector.broadcast %jit3A_70 : i32 to vector<16xi32>
    %select_n3A_72 = arith.select %eq3A_69, %broadcast_in_dim3A_71, %select_n3A_53 : vector<16xi1>, vector<16xi32>
    %eq3A_73 = arith.constant 3 : i32
    %eq3A_74 = vector.broadcast %eq3A_73 : i32 to vector<16xi32>
    %eq3A_75 = arith.cmpi eq, %iota3A, %eq3A_74 : vector<16xi32>
    %jit3A_76 = arith.constant -1 : i32
    %broadcast_in_dim3A_77 = vector.broadcast %jit3A_76 : i32 to vector<16xi32>
    %select_n3A_78 = arith.select %eq3A_75, %get3A_1, %broadcast_in_dim3A_77 : vector<16xi1>, vector<16xi32>
    %reduce_max3A_79 = arith.constant true
    %reduce_max3A_80 = vector.broadcast %reduce_max3A_79 : i1 to vector<16xi1>
    %reduce_max3A_81 = arith.constant -2147483648 : i32
    %reduce_max3A_82 = vector.broadcast %reduce_max3A_81 : i32 to vector<16xi32>
    %reduce_max3A_83 = arith.xori %select_n3A_78, %reduce_max3A_82 : vector<16xi32>
    %reduce_max3A_84 = tpu.scan <max>, %reduce_max3A_83 masked %reduce_max3A_80 : vector<16xi32>, vector<16xi1> -> vector<16xi32>
    %reduce_max3A_85 = arith.xori %reduce_max3A_84, %reduce_max3A_82 : vector<16xi32>
    %reduce_max3A_86 = vector.extract %reduce_max3A_85[15] : i32 from vector<16xi32>
    %eq3A_87 = vector.broadcast %reduce_max3A_86 : i32 to vector<16xi32>
    %eq3A_88 = arith.cmpi eq, %get3A_1, %eq3A_87 : vector<16xi32>
    %jit3A_89 = arith.constant 3 : i32
    %broadcast_in_dim3A_90 = vector.broadcast %jit3A_89 : i32 to vector<16xi32>
    %select_n3A_91 = arith.select %eq3A_88, %broadcast_in_dim3A_90, %select_n3A_72 : vector<16xi1>, vector<16xi32>
    %eq3A_92 = arith.constant 2 : i32
    %eq3A_93 = vector.broadcast %eq3A_92 : i32 to vector<16xi32>
    %eq3A_94 = arith.cmpi eq, %iota3A, %eq3A_93 : vector<16xi32>
    %jit3A_95 = arith.constant -1 : i32
    %broadcast_in_dim3A_96 = vector.broadcast %jit3A_95 : i32 to vector<16xi32>
    %select_n3A_97 = arith.select %eq3A_94, %get3A_1, %broadcast_in_dim3A_96 : vector<16xi1>, vector<16xi32>
    %reduce_max3A_98 = arith.constant true
    %reduce_max3A_99 = vector.broadcast %reduce_max3A_98 : i1 to vector<16xi1>
    %reduce_max3A_100 = arith.constant -2147483648 : i32
    %reduce_max3A_101 = vector.broadcast %reduce_max3A_100 : i32 to vector<16xi32>
    %reduce_max3A_102 = arith.xori %select_n3A_97, %reduce_max3A_101 : vector<16xi32>
    %reduce_max3A_103 = tpu.scan <max>, %reduce_max3A_102 masked %reduce_max3A_99 : vector<16xi32>, vector<16xi1> -> vector<16xi32>
    %reduce_max3A_104 = arith.xori %reduce_max3A_103, %reduce_max3A_101 : vector<16xi32>
    %reduce_max3A_105 = vector.extract %reduce_max3A_104[15] : i32 from vector<16xi32>
    %eq3A_106 = vector.broadcast %reduce_max3A_105 : i32 to vector<16xi32>
    %eq3A_107 = arith.cmpi eq, %get3A_1, %eq3A_106 : vector<16xi32>
    %jit3A_108 = arith.constant 2 : i32
    %broadcast_in_dim3A_109 = vector.broadcast %jit3A_108 : i32 to vector<16xi32>
    %select_n3A_110 = arith.select %eq3A_107, %broadcast_in_dim3A_109, %select_n3A_91 : vector<16xi1>, vector<16xi32>
    %eq3A_111 = arith.constant 1 : i32
    %eq3A_112 = vector.broadcast %eq3A_111 : i32 to vector<16xi32>
    %eq3A_113 = arith.cmpi eq, %iota3A, %eq3A_112 : vector<16xi32>
    %jit3A_114 = arith.constant -1 : i32
    %broadcast_in_dim3A_115 = vector.broadcast %jit3A_114 : i32 to vector<16xi32>
    %select_n3A_116 = arith.select %eq3A_113, %get3A_1, %broadcast_in_dim3A_115 : vector<16xi1>, vector<16xi32>
    %reduce_max3A_117 = arith.constant true
    %reduce_max3A_118 = vector.broadcast %reduce_max3A_117 : i1 to vector<16xi1>
    %reduce_max3A_119 = arith.constant -2147483648 : i32
    %reduce_max3A_120 = vector.broadcast %reduce_max3A_119 : i32 to vector<16xi32>
    %reduce_max3A_121 = arith.xori %select_n3A_116, %reduce_max3A_120 : vector<16xi32>
    %reduce_max3A_122 = tpu.scan <max>, %reduce_max3A_121 masked %reduce_max3A_118 : vector<16xi32>, vector<16xi1> -> vector<16xi32>
    %reduce_max3A_123 = arith.xori %reduce_max3A_122, %reduce_max3A_120 : vector<16xi32>
    %reduce_max3A_124 = vector.extract %reduce_max3A_123[15] : i32 from vector<16xi32>
    %eq3A_125 = vector.broadcast %reduce_max3A_124 : i32 to vector<16xi32>
    %eq3A_126 = arith.cmpi eq, %get3A_1, %eq3A_125 : vector<16xi32>
    %jit3A_127 = arith.constant 1 : i32
    %broadcast_in_dim3A_128 = vector.broadcast %jit3A_127 : i32 to vector<16xi32>
    %select_n3A_129 = arith.select %eq3A_126, %broadcast_in_dim3A_128, %select_n3A_110 : vector<16xi1>, vector<16xi32>
    %eq3A_130 = arith.constant 0 : i32
    %eq3A_131 = vector.broadcast %eq3A_130 : i32 to vector<16xi32>
    %eq3A_132 = arith.cmpi eq, %iota3A, %eq3A_131 : vector<16xi32>
    %jit3A_133 = arith.constant -1 : i32
    %broadcast_in_dim3A_134 = vector.broadcast %jit3A_133 : i32 to vector<16xi32>
    %select_n3A_135 = arith.select %eq3A_132, %get3A_1, %broadcast_in_dim3A_134 : vector<16xi1>, vector<16xi32>
    %reduce_max3A_136 = arith.constant true
    %reduce_max3A_137 = vector.broadcast %reduce_max3A_136 : i1 to vector<16xi1>
    %reduce_max3A_138 = arith.constant -2147483648 : i32
    %reduce_max3A_139 = vector.broadcast %reduce_max3A_138 : i32 to vector<16xi32>
    %reduce_max3A_140 = arith.xori %select_n3A_135, %reduce_max3A_139 : vector<16xi32>
    %reduce_max3A_141 = tpu.scan <max>, %reduce_max3A_140 masked %reduce_max3A_137 : vector<16xi32>, vector<16xi1> -> vector<16xi32>
    %reduce_max3A_142 = arith.xori %reduce_max3A_141, %reduce_max3A_139 : vector<16xi32>
    %reduce_max3A_143 = vector.extract %reduce_max3A_142[15] : i32 from vector<16xi32>
    %eq3A_144 = vector.broadcast %reduce_max3A_143 : i32 to vector<16xi32>
    %eq3A_145 = arith.cmpi eq, %get3A_1, %eq3A_144 : vector<16xi32>
    %jit3A_146 = arith.constant 0 : i32
    %broadcast_in_dim3A_147 = vector.broadcast %jit3A_146 : i32 to vector<16xi32>
    %select_n3A_148 = arith.select %eq3A_145, %broadcast_in_dim3A_147, %select_n3A_129 : vector<16xi1>, vector<16xi32>
    %eq3A_149 = arith.cmpi eq, %select_n3A_148, %iota3A : vector<16xi32>
    %lt3A = arith.constant 8 : i32
    %lt3A_150 = vector.broadcast %lt3A : i32 to vector<16xi32>
    %lt3A_151 = arith.cmpi slt, %iota3A, %lt3A_150 : vector<16xi32>
    %and3A = arith.andi %eq3A_149, %lt3A_151 : vector<16xi1>
    %jit3A_152 = arith.constant 1 : i32
    %jit3A_153 = arith.constant 0 : i32
    %broadcast_in_dim3A_154 = vector.broadcast %jit3A_152 : i32 to vector<16xi32>
    %broadcast_in_dim3A_155 = vector.broadcast %jit3A_153 : i32 to vector<16xi32>
    %select_n3A_156 = arith.select %and3A, %broadcast_in_dim3A_154, %broadcast_in_dim3A_155 : vector<16xi1>, vector<16xi32>
    %broadcast_in_dim3A_157 = arith.constant true
    %broadcast_in_dim3A_158 = vector.broadcast %broadcast_in_dim3A_157 : i1 to vector<16xi1>
    %masked_cumsum3A = tpu.scan <sum>, %select_n3A_156 masked %broadcast_in_dim3A_158 : vector<16xi32>, vector<16xi1> -> vector<16xi32>
    %sub3A = arith.constant 1 : i32
    %sub3A_159 = vector.broadcast %sub3A : i32 to vector<16xi32>
    %sub3A_160 = arith.subi %masked_cumsum3A, %sub3A_159 : vector<16xi32>
    %reduce_max3A_161 = arith.constant true
    %reduce_max3A_162 = vector.broadcast %reduce_max3A_161 : i1 to vector<16xi1>
    %reduce_max3A_163 = arith.constant -2147483648 : i32
    %reduce_max3A_164 = vector.broadcast %reduce_max3A_163 : i32 to vector<16xi32>
    %reduce_max3A_165 = arith.xori %sub3A_160, %reduce_max3A_164 : vector<16xi32>
    %reduce_max3A_166 = tpu.scan <max>, %reduce_max3A_165 masked %reduce_max3A_162 : vector<16xi32>, vector<16xi1> -> vector<16xi32>
    %reduce_max3A_167 = arith.xori %reduce_max3A_166, %reduce_max3A_164 : vector<16xi32>
    %reduce_max3A_168 = vector.extract %reduce_max3A_167[15] : i32 from vector<16xi32>
    %add3A_169 = arith.constant 1 : i32
    %add3A_170 = arith.addi %reduce_max3A_168, %add3A_169 : i32
    %mul3A_171 = arith.constant 64 : i32
    %mul3A_172 = arith.muli %add3A_170, %mul3A_171 : i32
    %jit3A_173 = arith.constant 32 : i32
    %div3A = arith.divsi %mul3A_172, %jit3A_173 : i32
    %sign3A = arith.constant 0 : i32
    %sign3A_174 = arith.cmpi sgt, %mul3A_172, %sign3A : i32
    %sign3A_175 = arith.extui %sign3A_174 : i1 to i32
    %sign3A_176 = arith.constant 0 : i32
    %sign3A_177 = arith.cmpi slt, %mul3A_172, %sign3A_176 : i32
    %sign3A_178 = arith.extui %sign3A_177 : i1 to i32
    %sign3A_179 = arith.subi %sign3A_175, %sign3A_178 : i32
    %sign3A_180 = arith.constant 0 : i32
    %sign3A_181 = arith.cmpi sgt, %jit3A_173, %sign3A_180 : i32
    %sign3A_182 = arith.extui %sign3A_181 : i1 to i32
    %sign3A_183 = arith.constant 0 : i32
    %sign3A_184 = arith.cmpi slt, %jit3A_173, %sign3A_183 : i32
    %sign3A_185 = arith.extui %sign3A_184 : i1 to i32
    %sign3A_186 = arith.subi %sign3A_182, %sign3A_185 : i32
    %ne3A = arith.cmpi ne, %sign3A_179, %sign3A_186 : i32
    %rem3A = arith.remsi %mul3A_172, %jit3A_173 : i32
    %ne3A_187 = arith.constant 0 : i32
    %ne3A_188 = arith.cmpi ne, %rem3A, %ne3A_187 : i32
    %and3A_189 = arith.andi %ne3A, %ne3A_188 : i1
    %sub3A_190 = arith.constant 1 : i32
    %sub3A_191 = arith.subi %div3A, %sub3A_190 : i32
    %select_n3A_192 = arith.select %and3A_189, %sub3A_191, %div3A : i32
    %add3A_193 = arith.constant 0 : i32
    %add3A_194 = arith.addi %add3A, %add3A_193 : i32
    %jit3A_195 = arith.constant 64 : i32
    %div3A_196 = arith.divsi %add3A_194, %jit3A_195 : i32
    %sign3A_197 = arith.constant 0 : i32
    %sign3A_198 = arith.cmpi sgt, %add3A_194, %sign3A_197 : i32
    %sign3A_199 = arith.extui %sign3A_198 : i1 to i32
    %sign3A_200 = arith.constant 0 : i32
    %sign3A_201 = arith.cmpi slt, %add3A_194, %sign3A_200 : i32
    %sign3A_202 = arith.extui %sign3A_201 : i1 to i32
    %sign3A_203 = arith.subi %sign3A_199, %sign3A_202 : i32
    %sign3A_204 = arith.constant 0 : i32
    %sign3A_205 = arith.cmpi sgt, %jit3A_195, %sign3A_204 : i32
    %sign3A_206 = arith.extui %sign3A_205 : i1 to i32
    %sign3A_207 = arith.constant 0 : i32
    %sign3A_208 = arith.cmpi slt, %jit3A_195, %sign3A_207 : i32
    %sign3A_209 = arith.extui %sign3A_208 : i1 to i32
    %sign3A_210 = arith.subi %sign3A_206, %sign3A_209 : i32
    %ne3A_211 = arith.cmpi ne, %sign3A_203, %sign3A_210 : i32
    %rem3A_212 = arith.remsi %add3A_194, %jit3A_195 : i32
    %ne3A_213 = arith.constant 0 : i32
    %ne3A_214 = arith.cmpi ne, %rem3A_212, %ne3A_213 : i32
    %and3A_215 = arith.andi %ne3A_211, %ne3A_214 : i1
    %sub3A_216 = arith.constant 1 : i32
    %sub3A_217 = arith.subi %div3A_196, %sub3A_216 : i32
    %select_n3A_218 = arith.select %and3A_215, %sub3A_217, %div3A_196 : i32
    %rem3A_219 = arith.constant 64 : i32
    %rem3A_220 = arith.remsi %add3A_194, %rem3A_219 : i32
    %eq3A_221 = vector.broadcast %select_n3A_218 : i32 to vector<16xi32>
    %eq3A_222 = arith.cmpi eq, %sub3A_160, %eq3A_221 : vector<16xi32>
    %and3A_223 = arith.andi %eq3A_222, %and3A : vector<16xi1>
    %jit3A_224 = arith.constant -1 : i32
    %broadcast_in_dim3A_225 = vector.broadcast %jit3A_224 : i32 to vector<16xi32>
    %select_n3A_226 = arith.select %and3A_223, %get3A_1, %broadcast_in_dim3A_225 : vector<16xi1>, vector<16xi32>
    %reduce_max3A_227 = arith.constant true
    %reduce_max3A_228 = vector.broadcast %reduce_max3A_227 : i1 to vector<16xi1>
    %reduce_max3A_229 = arith.constant -2147483648 : i32
    %reduce_max3A_230 = vector.broadcast %reduce_max3A_229 : i32 to vector<16xi32>
    %reduce_max3A_231 = arith.xori %select_n3A_226, %reduce_max3A_230 : vector<16xi32>
    %reduce_max3A_232 = tpu.scan <max>, %reduce_max3A_231 masked %reduce_max3A_228 : vector<16xi32>, vector<16xi1> -> vector<16xi32>
    %reduce_max3A_233 = arith.xori %reduce_max3A_232, %reduce_max3A_230 : vector<16xi32>
    %reduce_max3A_234 = vector.extract %reduce_max3A_233[15] : i32 from vector<16xi32>
    %mul3A_235 = arith.constant 64 : i32
    %mul3A_236 = arith.muli %reduce_max3A_234, %mul3A_235 : i32
    %add3A_237 = arith.addi %mul3A_236, %rem3A_220 : i32
    %dma_start3A = arith.constant 0 : i32
    %dma_start3A_238 = arith.constant 0 : i32
    %dma_start3A_239 = tpu.memref_slice %arg8[%dma_start3A, %dma_start3A_238] : memref<2x49152xf32, #tpu.memory_space<vmem>> -> memref<1x49152xf32, #tpu.memory_space<vmem>>
    %dma_start3A_240 = arith.constant 0 : i32
    %dma_start3A_241 = tpu.memref_slice %arg4[%add3A_237, %dma_start3A_240] : memref<512x49152xf32, #tpu.memory_space<hbm>> -> memref<1x49152xf32, #tpu.memory_space<hbm>>
    %dma_start3A_242 = arith.constant 0 : i32
    %dma_start3A_243 = arith.constant 0 : i32
    %dma_start3A_244 = tpu.memref_slice %arg8[%dma_start3A_242, %dma_start3A_243] : memref<2x49152xf32, #tpu.memory_space<vmem>> -> memref<1x49152xf32, #tpu.memory_space<vmem>>
    %dma_start3A_245 = arith.constant 0 : i32
    %dma_start3A_246 = tpu.memref_slice %arg4[%add3A_237, %dma_start3A_245] : memref<512x49152xf32, #tpu.memory_space<hbm>> -> memref<1x49152xf32, #tpu.memory_space<hbm>>
    tpu.enqueue_dma source(%dma_start3A_246 : memref<1x49152xf32, #tpu.memory_space<hbm>>) target(%dma_start3A_244 : memref<1x49152xf32, #tpu.memory_space<vmem>>) target_semaphore(%arg10 : memref<!tpu.dma_semaphore, #tpu.memory_space<semaphore_mem>>)
    %add3A_247 = arith.constant 32 : i32
    %add3A_248 = arith.addi %add3A, %add3A_247 : i32
    %jit3A_249 = arith.constant 64 : i32
    %div3A_250 = arith.divsi %add3A_248, %jit3A_249 : i32
    %sign3A_251 = arith.constant 0 : i32
    %sign3A_252 = arith.cmpi sgt, %add3A_248, %sign3A_251 : i32
    %sign3A_253 = arith.extui %sign3A_252 : i1 to i32
    %sign3A_254 = arith.constant 0 : i32
    %sign3A_255 = arith.cmpi slt, %add3A_248, %sign3A_254 : i32
    %sign3A_256 = arith.extui %sign3A_255 : i1 to i32
    %sign3A_257 = arith.subi %sign3A_253, %sign3A_256 : i32
    %sign3A_258 = arith.constant 0 : i32
    %sign3A_259 = arith.cmpi sgt, %jit3A_249, %sign3A_258 : i32
    %sign3A_260 = arith.extui %sign3A_259 : i1 to i32
    %sign3A_261 = arith.constant 0 : i32
    %sign3A_262 = arith.cmpi slt, %jit3A_249, %sign3A_261 : i32
    %sign3A_263 = arith.extui %sign3A_262 : i1 to i32
    %sign3A_264 = arith.subi %sign3A_260, %sign3A_263 : i32
    %ne3A_265 = arith.cmpi ne, %sign3A_257, %sign3A_264 : i32
    %rem3A_266 = arith.remsi %add3A_248, %jit3A_249 : i32
    %ne3A_267 = arith.constant 0 : i32
    %ne3A_268 = arith.cmpi ne, %rem3A_266, %ne3A_267 : i32
    %and3A_269 = arith.andi %ne3A_265, %ne3A_268 : i1
    %sub3A_270 = arith.constant 1 : i32
    %sub3A_271 = arith.subi %div3A_250, %sub3A_270 : i32
    %select_n3A_272 = arith.select %and3A_269, %sub3A_271, %div3A_250 : i32
    %rem3A_273 = arith.constant 64 : i32
    %rem3A_274 = arith.remsi %add3A_248, %rem3A_273 : i32
    %eq3A_275 = vector.broadcast %select_n3A_272 : i32 to vector<16xi32>
    %eq3A_276 = arith.cmpi eq, %sub3A_160, %eq3A_275 : vector<16xi32>
    %and3A_277 = arith.andi %eq3A_276, %and3A : vector<16xi1>
    %jit3A_278 = arith.constant -1 : i32
    %broadcast_in_dim3A_279 = vector.broadcast %jit3A_278 : i32 to vector<16xi32>
    %select_n3A_280 = arith.select %and3A_277, %get3A_1, %broadcast_in_dim3A_279 : vector<16xi1>, vector<16xi32>
    %reduce_max3A_281 = arith.constant true
    %reduce_max3A_282 = vector.broadcast %reduce_max3A_281 : i1 to vector<16xi1>
    %reduce_max3A_283 = arith.constant -2147483648 : i32
    %reduce_max3A_284 = vector.broadcast %reduce_max3A_283 : i32 to vector<16xi32>
    %reduce_max3A_285 = arith.xori %select_n3A_280, %reduce_max3A_284 : vector<16xi32>
    %reduce_max3A_286 = tpu.scan <max>, %reduce_max3A_285 masked %reduce_max3A_282 : vector<16xi32>, vector<16xi1> -> vector<16xi32>
    %reduce_max3A_287 = arith.xori %reduce_max3A_286, %reduce_max3A_284 : vector<16xi32>
    %reduce_max3A_288 = vector.extract %reduce_max3A_287[15] : i32 from vector<16xi32>
    %mul3A_289 = arith.constant 64 : i32
    %mul3A_290 = arith.muli %reduce_max3A_288, %mul3A_289 : i32
    %add3A_291 = arith.addi %mul3A_290, %rem3A_274 : i32
    %dma_start3A_292 = arith.constant 1 : i32
    %dma_start3A_293 = arith.constant 0 : i32
    %dma_start3A_294 = tpu.memref_slice %arg8[%dma_start3A_292, %dma_start3A_293] : memref<2x49152xf32, #tpu.memory_space<vmem>> -> memref<1x49152xf32, #tpu.memory_space<vmem>>
    %dma_start3A_295 = arith.constant 0 : i32
    %dma_start3A_296 = tpu.memref_slice %arg4[%add3A_291, %dma_start3A_295] : memref<512x49152xf32, #tpu.memory_space<hbm>> -> memref<1x49152xf32, #tpu.memory_space<hbm>>
    %dma_start3A_297 = arith.constant 1 : i32
    %dma_start3A_298 = arith.constant 0 : i32
    %dma_start3A_299 = tpu.memref_slice %arg8[%dma_start3A_297, %dma_start3A_298] : memref<2x49152xf32, #tpu.memory_space<vmem>> -> memref<1x49152xf32, #tpu.memory_space<vmem>>
    %dma_start3A_300 = arith.constant 0 : i32
    %dma_start3A_301 = tpu.memref_slice %arg4[%add3A_291, %dma_start3A_300] : memref<512x49152xf32, #tpu.memory_space<hbm>> -> memref<1x49152xf32, #tpu.memory_space<hbm>>
    tpu.enqueue_dma source(%dma_start3A_301 : memref<1x49152xf32, #tpu.memory_space<hbm>>) target(%dma_start3A_299 : memref<1x49152xf32, #tpu.memory_space<vmem>>) target_semaphore(%arg10 : memref<!tpu.dma_semaphore, #tpu.memory_space<semaphore_mem>>)
    %jit3A_302 = arith.constant 4 : i32
    %div3A_303 = vector.broadcast %jit3A_302 : i32 to vector<16xi32>
    %div3A_304 = arith.divsi %iota3A, %div3A_303 : vector<16xi32>
    %sign3A_305 = arith.constant 0 : i32
    %sign3A_306 = vector.broadcast %sign3A_305 : i32 to vector<16xi32>
    %sign3A_307 = arith.cmpi sgt, %iota3A, %sign3A_306 : vector<16xi32>
    %sign3A_308 = arith.extui %sign3A_307 : vector<16xi1> to vector<16xi32>
    %sign3A_309 = arith.constant 0 : i32
    %sign3A_310 = vector.broadcast %sign3A_309 : i32 to vector<16xi32>
    %sign3A_311 = arith.cmpi slt, %iota3A, %sign3A_310 : vector<16xi32>
    %sign3A_312 = arith.extui %sign3A_311 : vector<16xi1> to vector<16xi32>
    %sign3A_313 = arith.subi %sign3A_308, %sign3A_312 : vector<16xi32>
    %sign3A_314 = arith.constant 0 : i32
    %sign3A_315 = arith.cmpi sgt, %jit3A_302, %sign3A_314 : i32
    %sign3A_316 = arith.extui %sign3A_315 : i1 to i32
    %sign3A_317 = arith.constant 0 : i32
    %sign3A_318 = arith.cmpi slt, %jit3A_302, %sign3A_317 : i32
    %sign3A_319 = arith.extui %sign3A_318 : i1 to i32
    %sign3A_320 = arith.subi %sign3A_316, %sign3A_319 : i32
    %ne3A_321 = vector.broadcast %sign3A_320 : i32 to vector<16xi32>
    %ne3A_322 = arith.cmpi ne, %sign3A_313, %ne3A_321 : vector<16xi32>
    %rem3A_323 = vector.broadcast %jit3A_302 : i32 to vector<16xi32>
    %rem3A_324 = arith.remsi %iota3A, %rem3A_323 : vector<16xi32>
    %ne3A_325 = arith.constant 0 : i32
    %ne3A_326 = vector.broadcast %ne3A_325 : i32 to vector<16xi32>
    %ne3A_327 = arith.cmpi ne, %rem3A_324, %ne3A_326 : vector<16xi32>
    %and3A_328 = arith.andi %ne3A_322, %ne3A_327 : vector<16xi1>
    %sub3A_329 = arith.constant 1 : i32
    %sub3A_330 = vector.broadcast %sub3A_329 : i32 to vector<16xi32>
    %sub3A_331 = arith.subi %div3A_304, %sub3A_330 : vector<16xi32>
    %select_n3A_332 = arith.select %and3A_328, %sub3A_331, %div3A_304 : vector<16xi1>, vector<16xi32>
    %while3A = arith.constant 0 : i32
    %while3A_333 = arith.constant 0 : i32
    %while3A_334 = arith.constant 0 : i32
    %while3A_335 = arith.constant 0 : i32
    %while3A_336 = arith.subi %select_n3A_192, %while3A : i32
    %while3A_337 = arith.addi %while3A, %while3A_336 : i32
    %while3A_338 = arith.constant 1 : i32
    %while3A_339 = arith.divsi %while3A_336, %while3A_338 : i32
    %while3A_340 = arith.muli %while3A_339, %while3A_338 : i32
    %while3A_341 = arith.addi %while3A, %while3A_340 : i32
    %while3A_342 = arith.constant 1 : i32
    %while3A_343:3 = scf.for %while3A_357 = %while3A to %while3A_341 step %while3A_342 iter_args(%while3A_358 = %while3A_333, %while3A_359 = %while3A_334, %while3A_360 = %while3A_335) -> (i32, i32, i32)  : i32 {
      %mul3A_361 = arith.constant 32 : i32
      %mul3A_362 = arith.muli %mul3A_361, %while3A_357 : i32
      %add3A_363 = arith.addi %add3A, %mul3A_362 : i32
      %jit3A_364 = arith.constant 64 : i32
      %div3A_365 = arith.divsi %add3A_363, %jit3A_364 : i32
      %sign3A_366 = arith.constant 0 : i32
      %sign3A_367 = arith.cmpi sgt, %add3A_363, %sign3A_366 : i32
      %sign3A_368 = arith.extui %sign3A_367 : i1 to i32
      %sign3A_369 = arith.constant 0 : i32
      %sign3A_370 = arith.cmpi slt, %add3A_363, %sign3A_369 : i32
      %sign3A_371 = arith.extui %sign3A_370 : i1 to i32
      %sign3A_372 = arith.subi %sign3A_368, %sign3A_371 : i32
      %sign3A_373 = arith.constant 0 : i32
      %sign3A_374 = arith.cmpi sgt, %jit3A_364, %sign3A_373 : i32
      %sign3A_375 = arith.extui %sign3A_374 : i1 to i32
      %sign3A_376 = arith.constant 0 : i32
      %sign3A_377 = arith.cmpi slt, %jit3A_364, %sign3A_376 : i32
      %sign3A_378 = arith.extui %sign3A_377 : i1 to i32
      %sign3A_379 = arith.subi %sign3A_375, %sign3A_378 : i32
      %ne3A_380 = arith.cmpi ne, %sign3A_372, %sign3A_379 : i32
      %rem3A_381 = arith.remsi %add3A_363, %jit3A_364 : i32
      %ne3A_382 = arith.constant 0 : i32
      %ne3A_383 = arith.cmpi ne, %rem3A_381, %ne3A_382 : i32
      %and3A_384 = arith.andi %ne3A_380, %ne3A_383 : i1
      %sub3A_385 = arith.constant 1 : i32
      %sub3A_386 = arith.subi %div3A_365, %sub3A_385 : i32
      %select_n3A_387 = arith.select %and3A_384, %sub3A_386, %div3A_365 : i32
      %rem3A_388 = arith.constant 64 : i32
      %rem3A_389 = arith.remsi %add3A_363, %rem3A_388 : i32
      %eq3A_390 = vector.broadcast %select_n3A_387 : i32 to vector<16xi32>
      %eq3A_391 = arith.cmpi eq, %sub3A_160, %eq3A_390 : vector<16xi32>
      %and3A_392 = arith.andi %eq3A_391, %and3A : vector<16xi1>
      %jit3A_393 = arith.constant -1 : i32
      %broadcast_in_dim3A_394 = vector.broadcast %jit3A_393 : i32 to vector<16xi32>
      %select_n3A_395 = arith.select %and3A_392, %get3A_1, %broadcast_in_dim3A_394 : vector<16xi1>, vector<16xi32>
      %reduce_max3A_396 = arith.constant true
      %reduce_max3A_397 = vector.broadcast %reduce_max3A_396 : i1 to vector<16xi1>
      %reduce_max3A_398 = arith.constant -2147483648 : i32
      %reduce_max3A_399 = vector.broadcast %reduce_max3A_398 : i32 to vector<16xi32>
      %reduce_max3A_400 = arith.xori %select_n3A_395, %reduce_max3A_399 : vector<16xi32>
      %reduce_max3A_401 = tpu.scan <max>, %reduce_max3A_400 masked %reduce_max3A_397 : vector<16xi32>, vector<16xi1> -> vector<16xi32>
      %reduce_max3A_402 = arith.xori %reduce_max3A_401, %reduce_max3A_399 : vector<16xi32>
      %reduce_max3A_403 = vector.extract %reduce_max3A_402[15] : i32 from vector<16xi32>
      %rem3A_404 = arith.constant 2 : i32
      %rem3A_405 = arith.remsi %while3A_357, %rem3A_404 : i32
      %broadcast_in_dim3A_406 = vector.broadcast %rem3A_405 : i32 to vector<16xi32>
      %dma_wait3A = arith.constant 0 : i32
      %dma_wait3A_407 = tpu.memref_slice %arg8[%rem3A_405, %dma_wait3A] : memref<2x49152xf32, #tpu.memory_space<vmem>> -> memref<1x49152xf32, #tpu.memory_space<vmem>>
      %dma_wait3A_408 = arith.constant 0 : i32
      %dma_wait3A_409 = arith.constant 0 : i32
      %dma_wait3A_410 = tpu.memref_slice %arg4[%dma_wait3A_408, %dma_wait3A_409] : memref<512x49152xf32, #tpu.memory_space<hbm>> -> memref<1x49152xf32, #tpu.memory_space<hbm>>
      %dma_wait3A_411 = arith.constant 0 : i32
      %dma_wait3A_412 = tpu.memref_slice %arg8[%rem3A_405, %dma_wait3A_411] : memref<2x49152xf32, #tpu.memory_space<vmem>> -> memref<1x49152xf32, #tpu.memory_space<vmem>>
      %dma_wait3A_413 = arith.constant 0 : i32
      %dma_wait3A_414 = arith.constant 0 : i32
      %dma_wait3A_415 = tpu.memref_slice %arg4[%dma_wait3A_413, %dma_wait3A_414] : memref<512x49152xf32, #tpu.memory_space<hbm>> -> memref<1x49152xf32, #tpu.memory_space<hbm>>
      tpu.wait_dma2 semaphore(%arg10 : memref<!tpu.dma_semaphore, #tpu.memory_space<semaphore_mem>>) src(%dma_wait3A_415 : memref<1x49152xf32, #tpu.memory_space<hbm>>) dst(%dma_wait3A_412 : memref<1x49152xf32, #tpu.memory_space<vmem>>)
      %eq3A_416 = vector.broadcast %reduce_max3A_403 : i32 to vector<16xi32>
      %eq3A_417 = arith.cmpi eq, %get3A_1, %eq3A_416 : vector<16xi32>
      %jit3A_418 = arith.constant 1 : i32
      %jit3A_419 = arith.constant 0 : i32
      %broadcast_in_dim3A_420 = vector.broadcast %jit3A_418 : i32 to vector<16xi32>
      %broadcast_in_dim3A_421 = vector.broadcast %jit3A_419 : i32 to vector<16xi32>
      %select_n3A_422 = arith.select %eq3A_417, %broadcast_in_dim3A_420, %broadcast_in_dim3A_421 : vector<16xi1>, vector<16xi32>
      %eq3A_423 = arith.constant 0 : i32
      %eq3A_424 = vector.broadcast %eq3A_423 : i32 to vector<16xi32>
      %eq3A_425 = arith.cmpi eq, %select_n3A_332, %eq3A_424 : vector<16xi32>
      %jit3A_426 = arith.constant 1 : i32
      %jit3A_427 = arith.constant 0 : i32
      %broadcast_in_dim3A_428 = vector.broadcast %jit3A_426 : i32 to vector<16xi32>
      %broadcast_in_dim3A_429 = vector.broadcast %jit3A_427 : i32 to vector<16xi32>
      %select_n3A_430 = arith.select %eq3A_425, %broadcast_in_dim3A_428, %broadcast_in_dim3A_429 : vector<16xi1>, vector<16xi32>
      %mul3A_431 = arith.muli %select_n3A_422, %select_n3A_430 : vector<16xi32>
      %reduce_sum3A = arith.constant true
      %reduce_sum3A_432 = vector.broadcast %reduce_sum3A : i1 to vector<16xi1>
      %reduce_sum3A_433 = tpu.scan <sum>, %mul3A_431 masked %reduce_sum3A_432 : vector<16xi32>, vector<16xi1> -> vector<16xi32>
      %reduce_sum3A_434 = vector.extract %reduce_sum3A_433[15] : i32 from vector<16xi32>
      %reduce_sum3A_435 = arith.constant true
      %reduce_sum3A_436 = vector.broadcast %reduce_sum3A_435 : i1 to vector<16xi1>
      %reduce_sum3A_437 = tpu.scan <sum>, %select_n3A_422 masked %reduce_sum3A_436 : vector<16xi32>, vector<16xi1> -> vector<16xi32>
      %reduce_sum3A_438 = vector.extract %reduce_sum3A_437[15] : i32 from vector<16xi32>
      %sub3A_439 = arith.subi %reduce_sum3A_438, %reduce_sum3A_434 : i32
      %gt3A = arith.constant 0 : i32
      %gt3A_440 = arith.cmpi sgt, %reduce_sum3A_434, %gt3A : i32
      %jit3A_441 = arith.constant 1 : i32
      %jit3A_442 = arith.constant 0 : i32
      %select_n3A_443 = arith.select %gt3A_440, %jit3A_441, %jit3A_442 : i32
      %gt3A_444 = arith.constant 0 : i32
      %gt3A_445 = arith.cmpi sgt, %sub3A_439, %gt3A_444 : i32
      %jit3A_446 = arith.constant 1 : i32
      %jit3A_447 = arith.constant 0 : i32
      %select_n3A_448 = arith.select %gt3A_445, %jit3A_446, %jit3A_447 : i32
      %add3A_449 = arith.addi %select_n3A_443, %select_n3A_448 : i32
      %while3A_450 = arith.constant 0 : i32
      %while3A_451 = arith.subi %add3A_449, %while3A_450 : i32
      %while3A_452 = arith.addi %while3A_450, %while3A_451 : i32
      %while3A_453 = arith.constant 1 : i32
      %while3A_454 = arith.divsi %while3A_451, %while3A_453 : i32
      %while3A_455 = arith.muli %while3A_454, %while3A_453 : i32
      %while3A_456 = arith.addi %while3A_450, %while3A_455 : i32
      %while3A_457 = arith.constant 1 : i32
      %while3A_458:3 = scf.for %while3A_465 = %while3A_450 to %while3A_456 step %while3A_457 iter_args(%while3A_466 = %while3A_358, %while3A_467 = %while3A_359, %while3A_468 = %while3A_360) -> (i32, i32, i32)  : i32 {
        %eq3A_469 = arith.constant 0 : i32
        %eq3A_470 = arith.cmpi eq, %while3A_465, %eq3A_469 : i32
        %gt3A_471 = arith.constant 0 : i32
        %gt3A_472 = arith.cmpi sgt, %reduce_sum3A_434, %gt3A_471 : i32
        %and3A_473 = arith.andi %eq3A_470, %gt3A_472 : i1
        %jit3A_474 = arith.constant 0 : i32
        %jit3A_475 = arith.constant 1 : i32
        %select_n3A_476 = arith.select %and3A_473, %jit3A_474, %jit3A_475 : i32
        %select_n3A_477 = arith.select %and3A_473, %reduce_sum3A_434, %sub3A_439 : i32
        %rem3A_478 = arith.constant 2 : i32
        %rem3A_479 = arith.remsi %while3A_466, %rem3A_478 : i32
        %eq3A_480 = arith.constant 0 : i32
        %eq3A_481 = arith.cmpi eq, %rem3A_479, %eq3A_480 : i32
        %select_n3A_482 = arith.select %eq3A_481, %while3A_467, %while3A_468 : i32
        %while3A_483 = arith.constant 0 : i32
        %while3A_484 = arith.constant 0 : i32
        %while3A_485 = arith.subi %select_n3A_482, %while3A_484 : i32
        %while3A_486 = arith.addi %while3A_484, %while3A_485 : i32
        %while3A_487 = arith.constant 1 : i32
        %while3A_488 = arith.divsi %while3A_485, %while3A_487 : i32
        %while3A_489 = arith.muli %while3A_488, %while3A_487 : i32
        %while3A_490 = arith.addi %while3A_484, %while3A_489 : i32
        %while3A_491 = arith.constant 1 : i32
        scf.for %while3A_527 = %while3A_484 to %while3A_490 step %while3A_491  : i32 {
          %dma_wait3A_528 = arith.constant 0 : i32
          %dma_wait3A_529 = arith.constant 0 : i32
          %dma_wait3A_530 = tpu.memref_slice %arg9[%dma_wait3A_528, %dma_wait3A_529] : memref<2x2048xf32, #tpu.memory_space<vmem>> -> memref<1x2048xf32, #tpu.memory_space<vmem>>
          %dma_wait3A_531 = arith.constant 0 : i32
          %dma_wait3A_532 = arith.constant 0 : i32
          %dma_wait3A_533 = tpu.memref_slice %arg5[%dma_wait3A_531, %dma_wait3A_532] : memref<512x2048xf32, #tpu.memory_space<hbm>> -> memref<1x2048xf32, #tpu.memory_space<hbm>>
          %dma_wait3A_534 = arith.constant 0 : i32
          %dma_wait3A_535 = arith.constant 0 : i32
          %dma_wait3A_536 = tpu.memref_slice %arg5[%dma_wait3A_534, %dma_wait3A_535] : memref<512x2048xf32, #tpu.memory_space<hbm>> -> memref<1x2048xf32, #tpu.memory_space<hbm>>
          %dma_wait3A_537 = arith.constant 0 : i32
          %dma_wait3A_538 = arith.constant 0 : i32
          %dma_wait3A_539 = tpu.memref_slice %arg9[%dma_wait3A_537, %dma_wait3A_538] : memref<2x2048xf32, #tpu.memory_space<vmem>> -> memref<1x2048xf32, #tpu.memory_space<vmem>>
          tpu.wait_dma2 semaphore(%arg11 : memref<!tpu.dma_semaphore, #tpu.memory_space<semaphore_mem>>) src(%dma_wait3A_539 : memref<1x2048xf32, #tpu.memory_space<vmem>>) dst(%dma_wait3A_536 : memref<1x2048xf32, #tpu.memory_space<hbm>>)
        }
        %while3A_492 = arith.constant 1 : i32
        scf.for %while3A_527 = %while3A_490 to %while3A_486 step %while3A_492  : i32 {
          %dma_wait3A_528 = arith.constant 0 : i32
          %dma_wait3A_529 = arith.constant 0 : i32
          %dma_wait3A_530 = tpu.memref_slice %arg9[%dma_wait3A_528, %dma_wait3A_529] : memref<2x2048xf32, #tpu.memory_space<vmem>> -> memref<1x2048xf32, #tpu.memory_space<vmem>>
          %dma_wait3A_531 = arith.constant 0 : i32
          %dma_wait3A_532 = arith.constant 0 : i32
          %dma_wait3A_533 = tpu.memref_slice %arg5[%dma_wait3A_531, %dma_wait3A_532] : memref<512x2048xf32, #tpu.memory_space<hbm>> -> memref<1x2048xf32, #tpu.memory_space<hbm>>
          %dma_wait3A_534 = arith.constant 0 : i32
          %dma_wait3A_535 = arith.constant 0 : i32
          %dma_wait3A_536 = tpu.memref_slice %arg5[%dma_wait3A_534, %dma_wait3A_535] : memref<512x2048xf32, #tpu.memory_space<hbm>> -> memref<1x2048xf32, #tpu.memory_space<hbm>>
          %dma_wait3A_537 = arith.constant 0 : i32
          %dma_wait3A_538 = arith.constant 0 : i32
          %dma_wait3A_539 = tpu.memref_slice %arg9[%dma_wait3A_537, %dma_wait3A_538] : memref<2x2048xf32, #tpu.memory_space<vmem>> -> memref<1x2048xf32, #tpu.memory_space<vmem>>
          tpu.wait_dma2 semaphore(%arg11 : memref<!tpu.dma_semaphore, #tpu.memory_space<semaphore_mem>>) src(%dma_wait3A_539 : memref<1x2048xf32, #tpu.memory_space<vmem>>) dst(%dma_wait3A_536 : memref<1x2048xf32, #tpu.memory_space<hbm>>)
        }
        %eq3A_493 = vector.broadcast %select_n3A_476 : i32 to vector<16xi32>
        %eq3A_494 = arith.cmpi eq, %select_n3A_332, %eq3A_493 : vector<16xi32>
        %jit3A_495 = arith.constant 1 : i32
        %jit3A_496 = arith.constant 0 : i32
        %broadcast_in_dim3A_497 = vector.broadcast %jit3A_495 : i32 to vector<16xi32>
        %broadcast_in_dim3A_498 = vector.broadcast %jit3A_496 : i32 to vector<16xi32>
        %select_n3A_499 = arith.select %eq3A_494, %broadcast_in_dim3A_497, %broadcast_in_dim3A_498 : vector<16xi1>, vector<16xi32>
        %mul3A_500 = arith.muli %select_n3A_422, %select_n3A_499 : vector<16xi32>
        %broadcast_in_dim3A_501 = arith.constant true
        %broadcast_in_dim3A_502 = vector.broadcast %broadcast_in_dim3A_501 : i1 to vector<16xi1>
        %masked_cumsum3A_503 = tpu.scan <sum>, %mul3A_500 masked %broadcast_in_dim3A_502 : vector<16xi32>, vector<16xi1> -> vector<16xi32>
        %sub3A_504 = arith.constant 1 : i32
        %sub3A_505 = vector.broadcast %sub3A_504 : i32 to vector<16xi32>
        %sub3A_506 = arith.subi %masked_cumsum3A_503, %sub3A_505 : vector<16xi32>
        %parallel_loop3A = arith.constant 0 : i32
        %parallel_loop3A_507 = arith.constant 128 : i32
        %parallel_loop3A_508 = arith.constant 1 : i32
        scf.for %parallel_loop3A_527 = %parallel_loop3A to %parallel_loop3A_507 step %parallel_loop3A_508  : i32 {
          %parallel_loop3A_528 = arith.constant 16 : i32
          %parallel_loop3A_529 = arith.muli %parallel_loop3A_527, %parallel_loop3A_528 : i32
          %parallel_loop3A_530 = arith.index_cast %select_n3A_476 : i32 to index
          %parallel_loop3A_531 = arith.index_cast %parallel_loop3A_529 : i32 to index
          %parallel_loop3A_532 = tpu.vector_load %arg6[%parallel_loop3A_530, %parallel_loop3A_531] {strides = array<i32>} : memref<2x2048xi32, #tpu.memory_space<vmem>>, vector<16xi32>,
          %parallel_loop3A_533 = tpu.vector_load_idx %arg8[%broadcast_in_dim3A_406, %parallel_loop3A_532] : memref<2x49152xf32, #tpu.memory_space<vmem>>[vector<16xi32>, vector<16xi32>], vector<16xf32>,
          %parallel_loop3A_534 = arith.index_cast %rem3A_479 : i32 to index
          %parallel_loop3A_535 = arith.index_cast %parallel_loop3A_529 : i32 to index
          %parallel_loop3A_536 = tpu.vector_load %arg9[%parallel_loop3A_534, %parallel_loop3A_535] {strides = array<i32>} : memref<2x2048xf32, #tpu.memory_space<vmem>>, vector<16xf32>,
          tpu.vector_store %arg9[%parallel_loop3A_534, %parallel_loop3A_535], %parallel_loop3A_533 {strides = array<i32>} : memref<2x2048xf32, #tpu.memory_space<vmem>>, vector<16xf32>,
        } {sc.loop_unroll_factor = 16 : i64, sc.parallel_access}
        %while3A_509 = arith.constant 0 : i32
        %while3A_510 = arith.constant 0 : i32
        %while3A_511 = arith.subi %select_n3A_477, %while3A_510 : i32
        %while3A_512 = arith.addi %while3A_510, %while3A_511 : i32
        %while3A_513 = arith.constant 1 : i32
        %while3A_514 = arith.divsi %while3A_511, %while3A_513 : i32
        %while3A_515 = arith.muli %while3A_514, %while3A_513 : i32
        %while3A_516 = arith.addi %while3A_510, %while3A_515 : i32
        %while3A_517 = arith.constant 1 : i32
        scf.for %while3A_527 = %while3A_510 to %while3A_516 step %while3A_517  : i32 {
          %gt3A_528 = arith.constant 0 : i32
          %gt3A_529 = vector.broadcast %gt3A_528 : i32 to vector<16xi32>
          %gt3A_530 = arith.cmpi sgt, %mul3A_500, %gt3A_529 : vector<16xi32>
          %eq3A_531 = vector.broadcast %while3A_527 : i32 to vector<16xi32>
          %eq3A_532 = arith.cmpi eq, %sub3A_506, %eq3A_531 : vector<16xi32>
          %and3A_533 = arith.andi %gt3A_530, %eq3A_532 : vector<16xi1>
          %jit3A_534 = arith.constant -1 : i32
          %broadcast_in_dim3A_535 = vector.broadcast %jit3A_534 : i32 to vector<16xi32>
          %select_n3A_536 = arith.select %and3A_533, %iota3A, %broadcast_in_dim3A_535 : vector<16xi1>, vector<16xi32>
          %reduce_max3A_537 = arith.constant true
          %reduce_max3A_538 = vector.broadcast %reduce_max3A_537 : i1 to vector<16xi1>
          %reduce_max3A_539 = arith.constant -2147483648 : i32
          %reduce_max3A_540 = vector.broadcast %reduce_max3A_539 : i32 to vector<16xi32>
          %reduce_max3A_541 = arith.xori %select_n3A_536, %reduce_max3A_540 : vector<16xi32>
          %reduce_max3A_542 = tpu.scan <max>, %reduce_max3A_541 masked %reduce_max3A_538 : vector<16xi32>, vector<16xi1> -> vector<16xi32>
          %reduce_max3A_543 = arith.xori %reduce_max3A_542, %reduce_max3A_540 : vector<16xi32>
          %reduce_max3A_544 = vector.extract %reduce_max3A_543[15] : i32 from vector<16xi32>
          %mul3A_545 = arith.constant 64 : i32
          %mul3A_546 = arith.muli %reduce_max3A_544, %mul3A_545 : i32
          %add3A_547 = arith.addi %mul3A_546, %rem3A_389 : i32
          %dma_start3A_548 = arith.constant 0 : i32
          %dma_start3A_549 = tpu.memref_slice %arg9[%rem3A_479, %dma_start3A_548] : memref<2x2048xf32, #tpu.memory_space<vmem>> -> memref<1x2048xf32, #tpu.memory_space<vmem>>
          %dma_start3A_550 = arith.constant 0 : i32
          %dma_start3A_551 = tpu.memref_slice %arg5[%add3A_547, %dma_start3A_550] : memref<512x2048xf32, #tpu.memory_space<hbm>> -> memref<1x2048xf32, #tpu.memory_space<hbm>>
          %dma_start3A_552 = arith.constant 0 : i32
          %dma_start3A_553 = tpu.memref_slice %arg5[%add3A_547, %dma_start3A_552] : memref<512x2048xf32, #tpu.memory_space<hbm>> -> memref<1x2048xf32, #tpu.memory_space<hbm>>
          %dma_start3A_554 = arith.constant 0 : i32
          %dma_start3A_555 = tpu.memref_slice %arg9[%rem3A_479, %dma_start3A_554] : memref<2x2048xf32, #tpu.memory_space<vmem>> -> memref<1x2048xf32, #tpu.memory_space<vmem>>
          tpu.enqueue_dma source(%dma_start3A_555 : memref<1x2048xf32, #tpu.memory_space<vmem>>) target(%dma_start3A_553 : memref<1x2048xf32, #tpu.memory_space<hbm>>) target_semaphore(%arg11 : memref<!tpu.dma_semaphore, #tpu.memory_space<semaphore_mem>>)
        }
        %while3A_518 = arith.constant 1 : i32
        scf.for %while3A_527 = %while3A_516 to %while3A_512 step %while3A_518  : i32 {
          %gt3A_528 = arith.constant 0 : i32
          %gt3A_529 = vector.broadcast %gt3A_528 : i32 to vector<16xi32>
          %gt3A_530 = arith.cmpi sgt, %mul3A_500, %gt3A_529 : vector<16xi32>
          %eq3A_531 = vector.broadcast %while3A_527 : i32 to vector<16xi32>
          %eq3A_532 = arith.cmpi eq, %sub3A_506, %eq3A_531 : vector<16xi32>
          %and3A_533 = arith.andi %gt3A_530, %eq3A_532 : vector<16xi1>
          %jit3A_534 = arith.constant -1 : i32
          %broadcast_in_dim3A_535 = vector.broadcast %jit3A_534 : i32 to vector<16xi32>
          %select_n3A_536 = arith.select %and3A_533, %iota3A, %broadcast_in_dim3A_535 : vector<16xi1>, vector<16xi32>
          %reduce_max3A_537 = arith.constant true
          %reduce_max3A_538 = vector.broadcast %reduce_max3A_537 : i1 to vector<16xi1>
          %reduce_max3A_539 = arith.constant -2147483648 : i32
          %reduce_max3A_540 = vector.broadcast %reduce_max3A_539 : i32 to vector<16xi32>
          %reduce_max3A_541 = arith.xori %select_n3A_536, %reduce_max3A_540 : vector<16xi32>
          %reduce_max3A_542 = tpu.scan <max>, %reduce_max3A_541 masked %reduce_max3A_538 : vector<16xi32>, vector<16xi1> -> vector<16xi32>
          %reduce_max3A_543 = arith.xori %reduce_max3A_542, %reduce_max3A_540 : vector<16xi32>
          %reduce_max3A_544 = vector.extract %reduce_max3A_543[15] : i32 from vector<16xi32>
          %mul3A_545 = arith.constant 64 : i32
          %mul3A_546 = arith.muli %reduce_max3A_544, %mul3A_545 : i32
          %add3A_547 = arith.addi %mul3A_546, %rem3A_389 : i32
          %dma_start3A_548 = arith.constant 0 : i32
          %dma_start3A_549 = tpu.memref_slice %arg9[%rem3A_479, %dma_start3A_548] : memref<2x2048xf32, #tpu.memory_space<vmem>> -> memref<1x2048xf32, #tpu.memory_space<vmem>>
          %dma_start3A_550 = arith.constant 0 : i32
          %dma_start3A_551 = tpu.memref_slice %arg5[%add3A_547, %dma_start3A_550] : memref<512x2048xf32, #tpu.memory_space<hbm>> -> memref<1x2048xf32, #tpu.memory_space<hbm>>
          %dma_start3A_552 = arith.constant 0 : i32
          %dma_start3A_553 = tpu.memref_slice %arg5[%add3A_547, %dma_start3A_552] : memref<512x2048xf32, #tpu.memory_space<hbm>> -> memref<1x2048xf32, #tpu.memory_space<hbm>>
          %dma_start3A_554 = arith.constant 0 : i32
          %dma_start3A_555 = tpu.memref_slice %arg9[%rem3A_479, %dma_start3A_554] : memref<2x2048xf32, #tpu.memory_space<vmem>> -> memref<1x2048xf32, #tpu.memory_space<vmem>>
          tpu.enqueue_dma source(%dma_start3A_555 : memref<1x2048xf32, #tpu.memory_space<vmem>>) target(%dma_start3A_553 : memref<1x2048xf32, #tpu.memory_space<hbm>>) target_semaphore(%arg11 : memref<!tpu.dma_semaphore, #tpu.memory_space<semaphore_mem>>)
        }
        %eq3A_519 = arith.constant 0 : i32
        %eq3A_520 = arith.cmpi eq, %rem3A_479, %eq3A_519 : i32
        %select_n3A_521 = arith.select %eq3A_520, %select_n3A_477, %while3A_467 : i32
        %eq3A_522 = arith.constant 1 : i32
        %eq3A_523 = arith.cmpi eq, %rem3A_479, %eq3A_522 : i32
        %select_n3A_524 = arith.select %eq3A_523, %select_n3A_477, %while3A_468 : i32
        %add3A_525 = arith.constant 1 : i32
        %add3A_526 = arith.addi %while3A_466, %add3A_525 : i32
        scf.yield %add3A_526, %select_n3A_521, %select_n3A_524 : i32, i32, i32
      }
      %while3A_459 = arith.constant 1 : i32
      %while3A_460:3 = scf.for %while3A_465 = %while3A_456 to %while3A_452 step %while3A_459 iter_args(%while3A_466 = %while3A_458#0, %while3A_467 = %while3A_458#1, %while3A_468 = %while3A_458#2) -> (i32, i32, i32)  : i32 {
        %eq3A_469 = arith.constant 0 : i32
        %eq3A_470 = arith.cmpi eq, %while3A_465, %eq3A_469 : i32
        %gt3A_471 = arith.constant 0 : i32
        %gt3A_472 = arith.cmpi sgt, %reduce_sum3A_434, %gt3A_471 : i32
        %and3A_473 = arith.andi %eq3A_470, %gt3A_472 : i1
        %jit3A_474 = arith.constant 0 : i32
        %jit3A_475 = arith.constant 1 : i32
        %select_n3A_476 = arith.select %and3A_473, %jit3A_474, %jit3A_475 : i32
        %select_n3A_477 = arith.select %and3A_473, %reduce_sum3A_434, %sub3A_439 : i32
        %rem3A_478 = arith.constant 2 : i32
        %rem3A_479 = arith.remsi %while3A_466, %rem3A_478 : i32
        %eq3A_480 = arith.constant 0 : i32
        %eq3A_481 = arith.cmpi eq, %rem3A_479, %eq3A_480 : i32
        %select_n3A_482 = arith.select %eq3A_481, %while3A_467, %while3A_468 : i32
        %while3A_483 = arith.constant 0 : i32
        %while3A_484 = arith.constant 0 : i32
        %while3A_485 = arith.subi %select_n3A_482, %while3A_484 : i32
        %while3A_486 = arith.addi %while3A_484, %while3A_485 : i32
        %while3A_487 = arith.constant 1 : i32
        %while3A_488 = arith.divsi %while3A_485, %while3A_487 : i32
        %while3A_489 = arith.muli %while3A_488, %while3A_487 : i32
        %while3A_490 = arith.addi %while3A_484, %while3A_489 : i32
        %while3A_491 = arith.constant 1 : i32
        scf.for %while3A_527 = %while3A_484 to %while3A_490 step %while3A_491  : i32 {
          %dma_wait3A_528 = arith.constant 0 : i32
          %dma_wait3A_529 = arith.constant 0 : i32
          %dma_wait3A_530 = tpu.memref_slice %arg9[%dma_wait3A_528, %dma_wait3A_529] : memref<2x2048xf32, #tpu.memory_space<vmem>> -> memref<1x2048xf32, #tpu.memory_space<vmem>>
          %dma_wait3A_531 = arith.constant 0 : i32
          %dma_wait3A_532 = arith.constant 0 : i32
          %dma_wait3A_533 = tpu.memref_slice %arg5[%dma_wait3A_531, %dma_wait3A_532] : memref<512x2048xf32, #tpu.memory_space<hbm>> -> memref<1x2048xf32, #tpu.memory_space<hbm>>
          %dma_wait3A_534 = arith.constant 0 : i32
          %dma_wait3A_535 = arith.constant 0 : i32
          %dma_wait3A_536 = tpu.memref_slice %arg5[%dma_wait3A_534, %dma_wait3A_535] : memref<512x2048xf32, #tpu.memory_space<hbm>> -> memref<1x2048xf32, #tpu.memory_space<hbm>>
          %dma_wait3A_537 = arith.constant 0 : i32
          %dma_wait3A_538 = arith.constant 0 : i32
          %dma_wait3A_539 = tpu.memref_slice %arg9[%dma_wait3A_537, %dma_wait3A_538] : memref<2x2048xf32, #tpu.memory_space<vmem>> -> memref<1x2048xf32, #tpu.memory_space<vmem>>
          tpu.wait_dma2 semaphore(%arg11 : memref<!tpu.dma_semaphore, #tpu.memory_space<semaphore_mem>>) src(%dma_wait3A_539 : memref<1x2048xf32, #tpu.memory_space<vmem>>) dst(%dma_wait3A_536 : memref<1x2048xf32, #tpu.memory_space<hbm>>)
        }
        %while3A_492 = arith.constant 1 : i32
        scf.for %while3A_527 = %while3A_490 to %while3A_486 step %while3A_492  : i32 {
          %dma_wait3A_528 = arith.constant 0 : i32
          %dma_wait3A_529 = arith.constant 0 : i32
          %dma_wait3A_530 = tpu.memref_slice %arg9[%dma_wait3A_528, %dma_wait3A_529] : memref<2x2048xf32, #tpu.memory_space<vmem>> -> memref<1x2048xf32, #tpu.memory_space<vmem>>
          %dma_wait3A_531 = arith.constant 0 : i32
          %dma_wait3A_532 = arith.constant 0 : i32
          %dma_wait3A_533 = tpu.memref_slice %arg5[%dma_wait3A_531, %dma_wait3A_532] : memref<512x2048xf32, #tpu.memory_space<hbm>> -> memref<1x2048xf32, #tpu.memory_space<hbm>>
          %dma_wait3A_534 = arith.constant 0 : i32
          %dma_wait3A_535 = arith.constant 0 : i32
          %dma_wait3A_536 = tpu.memref_slice %arg5[%dma_wait3A_534, %dma_wait3A_535] : memref<512x2048xf32, #tpu.memory_space<hbm>> -> memref<1x2048xf32, #tpu.memory_space<hbm>>
          %dma_wait3A_537 = arith.constant 0 : i32
          %dma_wait3A_538 = arith.constant 0 : i32
          %dma_wait3A_539 = tpu.memref_slice %arg9[%dma_wait3A_537, %dma_wait3A_538] : memref<2x2048xf32, #tpu.memory_space<vmem>> -> memref<1x2048xf32, #tpu.memory_space<vmem>>
          tpu.wait_dma2 semaphore(%arg11 : memref<!tpu.dma_semaphore, #tpu.memory_space<semaphore_mem>>) src(%dma_wait3A_539 : memref<1x2048xf32, #tpu.memory_space<vmem>>) dst(%dma_wait3A_536 : memref<1x2048xf32, #tpu.memory_space<hbm>>)
        }
        %eq3A_493 = vector.broadcast %select_n3A_476 : i32 to vector<16xi32>
        %eq3A_494 = arith.cmpi eq, %select_n3A_332, %eq3A_493 : vector<16xi32>
        %jit3A_495 = arith.constant 1 : i32
        %jit3A_496 = arith.constant 0 : i32
        %broadcast_in_dim3A_497 = vector.broadcast %jit3A_495 : i32 to vector<16xi32>
        %broadcast_in_dim3A_498 = vector.broadcast %jit3A_496 : i32 to vector<16xi32>
        %select_n3A_499 = arith.select %eq3A_494, %broadcast_in_dim3A_497, %broadcast_in_dim3A_498 : vector<16xi1>, vector<16xi32>
        %mul3A_500 = arith.muli %select_n3A_422, %select_n3A_499 : vector<16xi32>
        %broadcast_in_dim3A_501 = arith.constant true
        %broadcast_in_dim3A_502 = vector.broadcast %broadcast_in_dim3A_501 : i1 to vector<16xi1>
        %masked_cumsum3A_503 = tpu.scan <sum>, %mul3A_500 masked %broadcast_in_dim3A_502 : vector<16xi32>, vector<16xi1> -> vector<16xi32>
        %sub3A_504 = arith.constant 1 : i32
        %sub3A_505 = vector.broadcast %sub3A_504 : i32 to vector<16xi32>
        %sub3A_506 = arith.subi %masked_cumsum3A_503, %sub3A_505 : vector<16xi32>
        %parallel_loop3A = arith.constant 0 : i32
        %parallel_loop3A_507 = arith.constant 128 : i32
        %parallel_loop3A_508 = arith.constant 1 : i32
        scf.for %parallel_loop3A_527 = %parallel_loop3A to %parallel_loop3A_507 step %parallel_loop3A_508  : i32 {
          %parallel_loop3A_528 = arith.constant 16 : i32
          %parallel_loop3A_529 = arith.muli %parallel_loop3A_527, %parallel_loop3A_528 : i32
          %parallel_loop3A_530 = arith.index_cast %select_n3A_476 : i32 to index
          %parallel_loop3A_531 = arith.index_cast %parallel_loop3A_529 : i32 to index
          %parallel_loop3A_532 = tpu.vector_load %arg6[%parallel_loop3A_530, %parallel_loop3A_531] {strides = array<i32>} : memref<2x2048xi32, #tpu.memory_space<vmem>>, vector<16xi32>,
          %parallel_loop3A_533 = tpu.vector_load_idx %arg8[%broadcast_in_dim3A_406, %parallel_loop3A_532] : memref<2x49152xf32, #tpu.memory_space<vmem>>[vector<16xi32>, vector<16xi32>], vector<16xf32>,
          %parallel_loop3A_534 = arith.index_cast %rem3A_479 : i32 to index
          %parallel_loop3A_535 = arith.index_cast %parallel_loop3A_529 : i32 to index
          %parallel_loop3A_536 = tpu.vector_load %arg9[%parallel_loop3A_534, %parallel_loop3A_535] {strides = array<i32>} : memref<2x2048xf32, #tpu.memory_space<vmem>>, vector<16xf32>,
          tpu.vector_store %arg9[%parallel_loop3A_534, %parallel_loop3A_535], %parallel_loop3A_533 {strides = array<i32>} : memref<2x2048xf32, #tpu.memory_space<vmem>>, vector<16xf32>,
        } {sc.loop_unroll_factor = 16 : i64, sc.parallel_access}
        %while3A_509 = arith.constant 0 : i32
        %while3A_510 = arith.constant 0 : i32
        %while3A_511 = arith.subi %select_n3A_477, %while3A_510 : i32
        %while3A_512 = arith.addi %while3A_510, %while3A_511 : i32
        %while3A_513 = arith.constant 1 : i32
        %while3A_514 = arith.divsi %while3A_511, %while3A_513 : i32
        %while3A_515 = arith.muli %while3A_514, %while3A_513 : i32
        %while3A_516 = arith.addi %while3A_510, %while3A_515 : i32
        %while3A_517 = arith.constant 1 : i32
        scf.for %while3A_527 = %while3A_510 to %while3A_516 step %while3A_517  : i32 {
          %gt3A_528 = arith.constant 0 : i32
          %gt3A_529 = vector.broadcast %gt3A_528 : i32 to vector<16xi32>
          %gt3A_530 = arith.cmpi sgt, %mul3A_500, %gt3A_529 : vector<16xi32>
          %eq3A_531 = vector.broadcast %while3A_527 : i32 to vector<16xi32>
          %eq3A_532 = arith.cmpi eq, %sub3A_506, %eq3A_531 : vector<16xi32>
          %and3A_533 = arith.andi %gt3A_530, %eq3A_532 : vector<16xi1>
          %jit3A_534 = arith.constant -1 : i32
          %broadcast_in_dim3A_535 = vector.broadcast %jit3A_534 : i32 to vector<16xi32>
          %select_n3A_536 = arith.select %and3A_533, %iota3A, %broadcast_in_dim3A_535 : vector<16xi1>, vector<16xi32>
          %reduce_max3A_537 = arith.constant true
          %reduce_max3A_538 = vector.broadcast %reduce_max3A_537 : i1 to vector<16xi1>
          %reduce_max3A_539 = arith.constant -2147483648 : i32
          %reduce_max3A_540 = vector.broadcast %reduce_max3A_539 : i32 to vector<16xi32>
          %reduce_max3A_541 = arith.xori %select_n3A_536, %reduce_max3A_540 : vector<16xi32>
          %reduce_max3A_542 = tpu.scan <max>, %reduce_max3A_541 masked %reduce_max3A_538 : vector<16xi32>, vector<16xi1> -> vector<16xi32>
          %reduce_max3A_543 = arith.xori %reduce_max3A_542, %reduce_max3A_540 : vector<16xi32>
          %reduce_max3A_544 = vector.extract %reduce_max3A_543[15] : i32 from vector<16xi32>
          %mul3A_545 = arith.constant 64 : i32
          %mul3A_546 = arith.muli %reduce_max3A_544, %mul3A_545 : i32
          %add3A_547 = arith.addi %mul3A_546, %rem3A_389 : i32
          %dma_start3A_548 = arith.constant 0 : i32
          %dma_start3A_549 = tpu.memref_slice %arg9[%rem3A_479, %dma_start3A_548] : memref<2x2048xf32, #tpu.memory_space<vmem>> -> memref<1x2048xf32, #tpu.memory_space<vmem>>
          %dma_start3A_550 = arith.constant 0 : i32
          %dma_start3A_551 = tpu.memref_slice %arg5[%add3A_547, %dma_start3A_550] : memref<512x2048xf32, #tpu.memory_space<hbm>> -> memref<1x2048xf32, #tpu.memory_space<hbm>>
          %dma_start3A_552 = arith.constant 0 : i32
          %dma_start3A_553 = tpu.memref_slice %arg5[%add3A_547, %dma_start3A_552] : memref<512x2048xf32, #tpu.memory_space<hbm>> -> memref<1x2048xf32, #tpu.memory_space<hbm>>
          %dma_start3A_554 = arith.constant 0 : i32
          %dma_start3A_555 = tpu.memref_slice %arg9[%rem3A_479, %dma_start3A_554] : memref<2x2048xf32, #tpu.memory_space<vmem>> -> memref<1x2048xf32, #tpu.memory_space<vmem>>
          tpu.enqueue_dma source(%dma_start3A_555 : memref<1x2048xf32, #tpu.memory_space<vmem>>) target(%dma_start3A_553 : memref<1x2048xf32, #tpu.memory_space<hbm>>) target_semaphore(%arg11 : memref<!tpu.dma_semaphore, #tpu.memory_space<semaphore_mem>>)
        }
        %while3A_518 = arith.constant 1 : i32
        scf.for %while3A_527 = %while3A_516 to %while3A_512 step %while3A_518  : i32 {
          %gt3A_528 = arith.constant 0 : i32
          %gt3A_529 = vector.broadcast %gt3A_528 : i32 to vector<16xi32>
          %gt3A_530 = arith.cmpi sgt, %mul3A_500, %gt3A_529 : vector<16xi32>
          %eq3A_531 = vector.broadcast %while3A_527 : i32 to vector<16xi32>
          %eq3A_532 = arith.cmpi eq, %sub3A_506, %eq3A_531 : vector<16xi32>
          %and3A_533 = arith.andi %gt3A_530, %eq3A_532 : vector<16xi1>
          %jit3A_534 = arith.constant -1 : i32
          %broadcast_in_dim3A_535 = vector.broadcast %jit3A_534 : i32 to vector<16xi32>
          %select_n3A_536 = arith.select %and3A_533, %iota3A, %broadcast_in_dim3A_535 : vector<16xi1>, vector<16xi32>
          %reduce_max3A_537 = arith.constant true
          %reduce_max3A_538 = vector.broadcast %reduce_max3A_537 : i1 to vector<16xi1>
          %reduce_max3A_539 = arith.constant -2147483648 : i32
          %reduce_max3A_540 = vector.broadcast %reduce_max3A_539 : i32 to vector<16xi32>
          %reduce_max3A_541 = arith.xori %select_n3A_536, %reduce_max3A_540 : vector<16xi32>
          %reduce_max3A_542 = tpu.scan <max>, %reduce_max3A_541 masked %reduce_max3A_538 : vector<16xi32>, vector<16xi1> -> vector<16xi32>
          %reduce_max3A_543 = arith.xori %reduce_max3A_542, %reduce_max3A_540 : vector<16xi32>
          %reduce_max3A_544 = vector.extract %reduce_max3A_543[15] : i32 from vector<16xi32>
          %mul3A_545 = arith.constant 64 : i32
          %mul3A_546 = arith.muli %reduce_max3A_544, %mul3A_545 : i32
          %add3A_547 = arith.addi %mul3A_546, %rem3A_389 : i32
          %dma_start3A_548 = arith.constant 0 : i32
          %dma_start3A_549 = tpu.memref_slice %arg9[%rem3A_479, %dma_start3A_548] : memref<2x2048xf32, #tpu.memory_space<vmem>> -> memref<1x2048xf32, #tpu.memory_space<vmem>>
          %dma_start3A_550 = arith.constant 0 : i32
          %dma_start3A_551 = tpu.memref_slice %arg5[%add3A_547, %dma_start3A_550] : memref<512x2048xf32, #tpu.memory_space<hbm>> -> memref<1x2048xf32, #tpu.memory_space<hbm>>
          %dma_start3A_552 = arith.constant 0 : i32
          %dma_start3A_553 = tpu.memref_slice %arg5[%add3A_547, %dma_start3A_552] : memref<512x2048xf32, #tpu.memory_space<hbm>> -> memref<1x2048xf32, #tpu.memory_space<hbm>>
          %dma_start3A_554 = arith.constant 0 : i32
          %dma_start3A_555 = tpu.memref_slice %arg9[%rem3A_479, %dma_start3A_554] : memref<2x2048xf32, #tpu.memory_space<vmem>> -> memref<1x2048xf32, #tpu.memory_space<vmem>>
          tpu.enqueue_dma source(%dma_start3A_555 : memref<1x2048xf32, #tpu.memory_space<vmem>>) target(%dma_start3A_553 : memref<1x2048xf32, #tpu.memory_space<hbm>>) target_semaphore(%arg11 : memref<!tpu.dma_semaphore, #tpu.memory_space<semaphore_mem>>)
        }
        %eq3A_519 = arith.constant 0 : i32
        %eq3A_520 = arith.cmpi eq, %rem3A_479, %eq3A_519 : i32
        %select_n3A_521 = arith.select %eq3A_520, %select_n3A_477, %while3A_467 : i32
        %eq3A_522 = arith.constant 1 : i32
        %eq3A_523 = arith.cmpi eq, %rem3A_479, %eq3A_522 : i32
        %select_n3A_524 = arith.select %eq3A_523, %select_n3A_477, %while3A_468 : i32
        %add3A_525 = arith.constant 1 : i32
        %add3A_526 = arith.addi %while3A_466, %add3A_525 : i32
        scf.yield %add3A_526, %select_n3A_521, %select_n3A_524 : i32, i32, i32
      }
      %add3A_461 = arith.constant 2 : i32
      %add3A_462 = arith.addi %while3A_357, %add3A_461 : i32
      %lt3A_463 = arith.cmpi slt, %add3A_462, %select_n3A_192 : i32
      %convert_element_type3A = arith.extui %lt3A_463 : i1 to i32
      %cond3A = arith.constant 0 : i32
      %cond3A_464 = arith.cmpi ne, %convert_element_type3A, %cond3A : i32
      scf.if %cond3A_464 {
        %add3A_465 = arith.constant 2 : i32
        %add3A_466 = arith.addi %while3A_357, %add3A_465 : i32
        %mul3A_467 = arith.constant 32 : i32
        %mul3A_468 = arith.muli %mul3A_467, %add3A_466 : i32
        %add3A_469 = arith.addi %add3A, %mul3A_468 : i32
        %jit3A_470 = arith.constant 64 : i32
        %div3A_471 = arith.divsi %add3A_469, %jit3A_470 : i32
        %sign3A_472 = arith.constant 0 : i32
        %sign3A_473 = arith.cmpi sgt, %add3A_469, %sign3A_472 : i32
        %sign3A_474 = arith.extui %sign3A_473 : i1 to i32
        %sign3A_475 = arith.constant 0 : i32
        %sign3A_476 = arith.cmpi slt, %add3A_469, %sign3A_475 : i32
        %sign3A_477 = arith.extui %sign3A_476 : i1 to i32
        %sign3A_478 = arith.subi %sign3A_474, %sign3A_477 : i32
        %sign3A_479 = arith.constant 0 : i32
        %sign3A_480 = arith.cmpi sgt, %jit3A_470, %sign3A_479 : i32
        %sign3A_481 = arith.extui %sign3A_480 : i1 to i32
        %sign3A_482 = arith.constant 0 : i32
        %sign3A_483 = arith.cmpi slt, %jit3A_470, %sign3A_482 : i32
        %sign3A_484 = arith.extui %sign3A_483 : i1 to i32
        %sign3A_485 = arith.subi %sign3A_481, %sign3A_484 : i32
        %ne3A_486 = arith.cmpi ne, %sign3A_478, %sign3A_485 : i32
        %rem3A_487 = arith.remsi %add3A_469, %jit3A_470 : i32
        %ne3A_488 = arith.constant 0 : i32
        %ne3A_489 = arith.cmpi ne, %rem3A_487, %ne3A_488 : i32
        %and3A_490 = arith.andi %ne3A_486, %ne3A_489 : i1
        %sub3A_491 = arith.constant 1 : i32
        %sub3A_492 = arith.subi %div3A_471, %sub3A_491 : i32
        %select_n3A_493 = arith.select %and3A_490, %sub3A_492, %div3A_471 : i32
        %rem3A_494 = arith.constant 64 : i32
        %rem3A_495 = arith.remsi %add3A_469, %rem3A_494 : i32
        %eq3A_496 = vector.broadcast %select_n3A_493 : i32 to vector<16xi32>
        %eq3A_497 = arith.cmpi eq, %sub3A_160, %eq3A_496 : vector<16xi32>
        %and3A_498 = arith.andi %eq3A_497, %and3A : vector<16xi1>
        %jit3A_499 = arith.constant -1 : i32
        %broadcast_in_dim3A_500 = vector.broadcast %jit3A_499 : i32 to vector<16xi32>
        %select_n3A_501 = arith.select %and3A_498, %get3A_1, %broadcast_in_dim3A_500 : vector<16xi1>, vector<16xi32>
        %reduce_max3A_502 = arith.constant true
        %reduce_max3A_503 = vector.broadcast %reduce_max3A_502 : i1 to vector<16xi1>
        %reduce_max3A_504 = arith.constant -2147483648 : i32
        %reduce_max3A_505 = vector.broadcast %reduce_max3A_504 : i32 to vector<16xi32>
        %reduce_max3A_506 = arith.xori %select_n3A_501, %reduce_max3A_505 : vector<16xi32>
        %reduce_max3A_507 = tpu.scan <max>, %reduce_max3A_506 masked %reduce_max3A_503 : vector<16xi32>, vector<16xi1> -> vector<16xi32>
        %reduce_max3A_508 = arith.xori %reduce_max3A_507, %reduce_max3A_505 : vector<16xi32>
        %reduce_max3A_509 = vector.extract %reduce_max3A_508[15] : i32 from vector<16xi32>
        %mul3A_510 = arith.constant 64 : i32
        %mul3A_511 = arith.muli %reduce_max3A_509, %mul3A_510 : i32
        %add3A_512 = arith.addi %mul3A_511, %rem3A_495 : i32
        %dma_start3A_513 = arith.constant 0 : i32
        %dma_start3A_514 = tpu.memref_slice %arg8[%rem3A_405, %dma_start3A_513] : memref<2x49152xf32, #tpu.memory_space<vmem>> -> memref<1x49152xf32, #tpu.memory_space<vmem>>
        %dma_start3A_515 = arith.constant 0 : i32
        %dma_start3A_516 = tpu.memref_slice %arg4[%add3A_512, %dma_start3A_515] : memref<512x49152xf32, #tpu.memory_space<hbm>> -> memref<1x49152xf32, #tpu.memory_space<hbm>>
        %dma_start3A_517 = arith.constant 0 : i32
        %dma_start3A_518 = tpu.memref_slice %arg8[%rem3A_405, %dma_start3A_517] : memref<2x49152xf32, #tpu.memory_space<vmem>> -> memref<1x49152xf32, #tpu.memory_space<vmem>>
        %dma_start3A_519 = arith.constant 0 : i32
        %dma_start3A_520 = tpu.memref_slice %arg4[%add3A_512, %dma_start3A_519] : memref<512x49152xf32, #tpu.memory_space<hbm>> -> memref<1x49152xf32, #tpu.memory_space<hbm>>
        tpu.enqueue_dma source(%dma_start3A_520 : memref<1x49152xf32, #tpu.memory_space<hbm>>) target(%dma_start3A_518 : memref<1x49152xf32, #tpu.memory_space<vmem>>) target_semaphore(%arg10 : memref<!tpu.dma_semaphore, #tpu.memory_space<semaphore_mem>>)
      } else {
      }
      scf.yield %while3A_460#0, %while3A_460#1, %while3A_460#2 : i32, i32, i32
    }
    %while3A_344 = arith.constant 1 : i32
    %while3A_345:3 = scf.for %while3A_357 = %while3A_341 to %while3A_337 step %while3A_344 iter_args(%while3A_358 = %while3A_343#0, %while3A_359 = %while3A_343#1, %while3A_360 = %while3A_343#2) -> (i32, i32, i32)  : i32 {
      %mul3A_361 = arith.constant 32 : i32
      %mul3A_362 = arith.muli %mul3A_361, %while3A_357 : i32
      %add3A_363 = arith.addi %add3A, %mul3A_362 : i32
      %jit3A_364 = arith.constant 64 : i32
      %div3A_365 = arith.divsi %add3A_363, %jit3A_364 : i32
      %sign3A_366 = arith.constant 0 : i32
      %sign3A_367 = arith.cmpi sgt, %add3A_363, %sign3A_366 : i32
      %sign3A_368 = arith.extui %sign3A_367 : i1 to i32
      %sign3A_369 = arith.constant 0 : i32
      %sign3A_370 = arith.cmpi slt, %add3A_363, %sign3A_369 : i32
      %sign3A_371 = arith.extui %sign3A_370 : i1 to i32
      %sign3A_372 = arith.subi %sign3A_368, %sign3A_371 : i32
      %sign3A_373 = arith.constant 0 : i32
      %sign3A_374 = arith.cmpi sgt, %jit3A_364, %sign3A_373 : i32
      %sign3A_375 = arith.extui %sign3A_374 : i1 to i32
      %sign3A_376 = arith.constant 0 : i32
      %sign3A_377 = arith.cmpi slt, %jit3A_364, %sign3A_376 : i32
      %sign3A_378 = arith.extui %sign3A_377 : i1 to i32
      %sign3A_379 = arith.subi %sign3A_375, %sign3A_378 : i32
      %ne3A_380 = arith.cmpi ne, %sign3A_372, %sign3A_379 : i32
      %rem3A_381 = arith.remsi %add3A_363, %jit3A_364 : i32
      %ne3A_382 = arith.constant 0 : i32
      %ne3A_383 = arith.cmpi ne, %rem3A_381, %ne3A_382 : i32
      %and3A_384 = arith.andi %ne3A_380, %ne3A_383 : i1
      %sub3A_385 = arith.constant 1 : i32
      %sub3A_386 = arith.subi %div3A_365, %sub3A_385 : i32
      %select_n3A_387 = arith.select %and3A_384, %sub3A_386, %div3A_365 : i32
      %rem3A_388 = arith.constant 64 : i32
      %rem3A_389 = arith.remsi %add3A_363, %rem3A_388 : i32
      %eq3A_390 = vector.broadcast %select_n3A_387 : i32 to vector<16xi32>
      %eq3A_391 = arith.cmpi eq, %sub3A_160, %eq3A_390 : vector<16xi32>
      %and3A_392 = arith.andi %eq3A_391, %and3A : vector<16xi1>
      %jit3A_393 = arith.constant -1 : i32
      %broadcast_in_dim3A_394 = vector.broadcast %jit3A_393 : i32 to vector<16xi32>
      %select_n3A_395 = arith.select %and3A_392, %get3A_1, %broadcast_in_dim3A_394 : vector<16xi1>, vector<16xi32>
      %reduce_max3A_396 = arith.constant true
      %reduce_max3A_397 = vector.broadcast %reduce_max3A_396 : i1 to vector<16xi1>
      %reduce_max3A_398 = arith.constant -2147483648 : i32
      %reduce_max3A_399 = vector.broadcast %reduce_max3A_398 : i32 to vector<16xi32>
      %reduce_max3A_400 = arith.xori %select_n3A_395, %reduce_max3A_399 : vector<16xi32>
      %reduce_max3A_401 = tpu.scan <max>, %reduce_max3A_400 masked %reduce_max3A_397 : vector<16xi32>, vector<16xi1> -> vector<16xi32>
      %reduce_max3A_402 = arith.xori %reduce_max3A_401, %reduce_max3A_399 : vector<16xi32>
      %reduce_max3A_403 = vector.extract %reduce_max3A_402[15] : i32 from vector<16xi32>
      %rem3A_404 = arith.constant 2 : i32
      %rem3A_405 = arith.remsi %while3A_357, %rem3A_404 : i32
      %broadcast_in_dim3A_406 = vector.broadcast %rem3A_405 : i32 to vector<16xi32>
      %dma_wait3A = arith.constant 0 : i32
      %dma_wait3A_407 = tpu.memref_slice %arg8[%rem3A_405, %dma_wait3A] : memref<2x49152xf32, #tpu.memory_space<vmem>> -> memref<1x49152xf32, #tpu.memory_space<vmem>>
      %dma_wait3A_408 = arith.constant 0 : i32
      %dma_wait3A_409 = arith.constant 0 : i32
      %dma_wait3A_410 = tpu.memref_slice %arg4[%dma_wait3A_408, %dma_wait3A_409] : memref<512x49152xf32, #tpu.memory_space<hbm>> -> memref<1x49152xf32, #tpu.memory_space<hbm>>
      %dma_wait3A_411 = arith.constant 0 : i32
      %dma_wait3A_412 = tpu.memref_slice %arg8[%rem3A_405, %dma_wait3A_411] : memref<2x49152xf32, #tpu.memory_space<vmem>> -> memref<1x49152xf32, #tpu.memory_space<vmem>>
      %dma_wait3A_413 = arith.constant 0 : i32
      %dma_wait3A_414 = arith.constant 0 : i32
      %dma_wait3A_415 = tpu.memref_slice %arg4[%dma_wait3A_413, %dma_wait3A_414] : memref<512x49152xf32, #tpu.memory_space<hbm>> -> memref<1x49152xf32, #tpu.memory_space<hbm>>
      tpu.wait_dma2 semaphore(%arg10 : memref<!tpu.dma_semaphore, #tpu.memory_space<semaphore_mem>>) src(%dma_wait3A_415 : memref<1x49152xf32, #tpu.memory_space<hbm>>) dst(%dma_wait3A_412 : memref<1x49152xf32, #tpu.memory_space<vmem>>)
      %eq3A_416 = vector.broadcast %reduce_max3A_403 : i32 to vector<16xi32>
      %eq3A_417 = arith.cmpi eq, %get3A_1, %eq3A_416 : vector<16xi32>
      %jit3A_418 = arith.constant 1 : i32
      %jit3A_419 = arith.constant 0 : i32
      %broadcast_in_dim3A_420 = vector.broadcast %jit3A_418 : i32 to vector<16xi32>
      %broadcast_in_dim3A_421 = vector.broadcast %jit3A_419 : i32 to vector<16xi32>
      %select_n3A_422 = arith.select %eq3A_417, %broadcast_in_dim3A_420, %broadcast_in_dim3A_421 : vector<16xi1>, vector<16xi32>
      %eq3A_423 = arith.constant 0 : i32
      %eq3A_424 = vector.broadcast %eq3A_423 : i32 to vector<16xi32>
      %eq3A_425 = arith.cmpi eq, %select_n3A_332, %eq3A_424 : vector<16xi32>
      %jit3A_426 = arith.constant 1 : i32
      %jit3A_427 = arith.constant 0 : i32
      %broadcast_in_dim3A_428 = vector.broadcast %jit3A_426 : i32 to vector<16xi32>
      %broadcast_in_dim3A_429 = vector.broadcast %jit3A_427 : i32 to vector<16xi32>
      %select_n3A_430 = arith.select %eq3A_425, %broadcast_in_dim3A_428, %broadcast_in_dim3A_429 : vector<16xi1>, vector<16xi32>
      %mul3A_431 = arith.muli %select_n3A_422, %select_n3A_430 : vector<16xi32>
      %reduce_sum3A = arith.constant true
      %reduce_sum3A_432 = vector.broadcast %reduce_sum3A : i1 to vector<16xi1>
      %reduce_sum3A_433 = tpu.scan <sum>, %mul3A_431 masked %reduce_sum3A_432 : vector<16xi32>, vector<16xi1> -> vector<16xi32>
      %reduce_sum3A_434 = vector.extract %reduce_sum3A_433[15] : i32 from vector<16xi32>
      %reduce_sum3A_435 = arith.constant true
      %reduce_sum3A_436 = vector.broadcast %reduce_sum3A_435 : i1 to vector<16xi1>
      %reduce_sum3A_437 = tpu.scan <sum>, %select_n3A_422 masked %reduce_sum3A_436 : vector<16xi32>, vector<16xi1> -> vector<16xi32>
      %reduce_sum3A_438 = vector.extract %reduce_sum3A_437[15] : i32 from vector<16xi32>
      %sub3A_439 = arith.subi %reduce_sum3A_438, %reduce_sum3A_434 : i32
      %gt3A = arith.constant 0 : i32
      %gt3A_440 = arith.cmpi sgt, %reduce_sum3A_434, %gt3A : i32
      %jit3A_441 = arith.constant 1 : i32
      %jit3A_442 = arith.constant 0 : i32
      %select_n3A_443 = arith.select %gt3A_440, %jit3A_441, %jit3A_442 : i32
      %gt3A_444 = arith.constant 0 : i32
      %gt3A_445 = arith.cmpi sgt, %sub3A_439, %gt3A_444 : i32
      %jit3A_446 = arith.constant 1 : i32
      %jit3A_447 = arith.constant 0 : i32
      %select_n3A_448 = arith.select %gt3A_445, %jit3A_446, %jit3A_447 : i32
      %add3A_449 = arith.addi %select_n3A_443, %select_n3A_448 : i32
      %while3A_450 = arith.constant 0 : i32
      %while3A_451 = arith.subi %add3A_449, %while3A_450 : i32
      %while3A_452 = arith.addi %while3A_450, %while3A_451 : i32
      %while3A_453 = arith.constant 1 : i32
      %while3A_454 = arith.divsi %while3A_451, %while3A_453 : i32
      %while3A_455 = arith.muli %while3A_454, %while3A_453 : i32
      %while3A_456 = arith.addi %while3A_450, %while3A_455 : i32
      %while3A_457 = arith.constant 1 : i32
      %while3A_458:3 = scf.for %while3A_465 = %while3A_450 to %while3A_456 step %while3A_457 iter_args(%while3A_466 = %while3A_358, %while3A_467 = %while3A_359, %while3A_468 = %while3A_360) -> (i32, i32, i32)  : i32 {
        %eq3A_469 = arith.constant 0 : i32
        %eq3A_470 = arith.cmpi eq, %while3A_465, %eq3A_469 : i32
        %gt3A_471 = arith.constant 0 : i32
        %gt3A_472 = arith.cmpi sgt, %reduce_sum3A_434, %gt3A_471 : i32
        %and3A_473 = arith.andi %eq3A_470, %gt3A_472 : i1
        %jit3A_474 = arith.constant 0 : i32
        %jit3A_475 = arith.constant 1 : i32
        %select_n3A_476 = arith.select %and3A_473, %jit3A_474, %jit3A_475 : i32
        %select_n3A_477 = arith.select %and3A_473, %reduce_sum3A_434, %sub3A_439 : i32
        %rem3A_478 = arith.constant 2 : i32
        %rem3A_479 = arith.remsi %while3A_466, %rem3A_478 : i32
        %eq3A_480 = arith.constant 0 : i32
        %eq3A_481 = arith.cmpi eq, %rem3A_479, %eq3A_480 : i32
        %select_n3A_482 = arith.select %eq3A_481, %while3A_467, %while3A_468 : i32
        %while3A_483 = arith.constant 0 : i32
        %while3A_484 = arith.constant 0 : i32
        %while3A_485 = arith.subi %select_n3A_482, %while3A_484 : i32
        %while3A_486 = arith.addi %while3A_484, %while3A_485 : i32
        %while3A_487 = arith.constant 1 : i32
        %while3A_488 = arith.divsi %while3A_485, %while3A_487 : i32
        %while3A_489 = arith.muli %while3A_488, %while3A_487 : i32
        %while3A_490 = arith.addi %while3A_484, %while3A_489 : i32
        %while3A_491 = arith.constant 1 : i32
        scf.for %while3A_527 = %while3A_484 to %while3A_490 step %while3A_491  : i32 {
          %dma_wait3A_528 = arith.constant 0 : i32
          %dma_wait3A_529 = arith.constant 0 : i32
          %dma_wait3A_530 = tpu.memref_slice %arg9[%dma_wait3A_528, %dma_wait3A_529] : memref<2x2048xf32, #tpu.memory_space<vmem>> -> memref<1x2048xf32, #tpu.memory_space<vmem>>
          %dma_wait3A_531 = arith.constant 0 : i32
          %dma_wait3A_532 = arith.constant 0 : i32
          %dma_wait3A_533 = tpu.memref_slice %arg5[%dma_wait3A_531, %dma_wait3A_532] : memref<512x2048xf32, #tpu.memory_space<hbm>> -> memref<1x2048xf32, #tpu.memory_space<hbm>>
          %dma_wait3A_534 = arith.constant 0 : i32
          %dma_wait3A_535 = arith.constant 0 : i32
          %dma_wait3A_536 = tpu.memref_slice %arg5[%dma_wait3A_534, %dma_wait3A_535] : memref<512x2048xf32, #tpu.memory_space<hbm>> -> memref<1x2048xf32, #tpu.memory_space<hbm>>
          %dma_wait3A_537 = arith.constant 0 : i32
          %dma_wait3A_538 = arith.constant 0 : i32
          %dma_wait3A_539 = tpu.memref_slice %arg9[%dma_wait3A_537, %dma_wait3A_538] : memref<2x2048xf32, #tpu.memory_space<vmem>> -> memref<1x2048xf32, #tpu.memory_space<vmem>>
          tpu.wait_dma2 semaphore(%arg11 : memref<!tpu.dma_semaphore, #tpu.memory_space<semaphore_mem>>) src(%dma_wait3A_539 : memref<1x2048xf32, #tpu.memory_space<vmem>>) dst(%dma_wait3A_536 : memref<1x2048xf32, #tpu.memory_space<hbm>>)
        }
        %while3A_492 = arith.constant 1 : i32
        scf.for %while3A_527 = %while3A_490 to %while3A_486 step %while3A_492  : i32 {
          %dma_wait3A_528 = arith.constant 0 : i32
          %dma_wait3A_529 = arith.constant 0 : i32
          %dma_wait3A_530 = tpu.memref_slice %arg9[%dma_wait3A_528, %dma_wait3A_529] : memref<2x2048xf32, #tpu.memory_space<vmem>> -> memref<1x2048xf32, #tpu.memory_space<vmem>>
          %dma_wait3A_531 = arith.constant 0 : i32
          %dma_wait3A_532 = arith.constant 0 : i32
          %dma_wait3A_533 = tpu.memref_slice %arg5[%dma_wait3A_531, %dma_wait3A_532] : memref<512x2048xf32, #tpu.memory_space<hbm>> -> memref<1x2048xf32, #tpu.memory_space<hbm>>
          %dma_wait3A_534 = arith.constant 0 : i32
          %dma_wait3A_535 = arith.constant 0 : i32
          %dma_wait3A_536 = tpu.memref_slice %arg5[%dma_wait3A_534, %dma_wait3A_535] : memref<512x2048xf32, #tpu.memory_space<hbm>> -> memref<1x2048xf32, #tpu.memory_space<hbm>>
          %dma_wait3A_537 = arith.constant 0 : i32
          %dma_wait3A_538 = arith.constant 0 : i32
          %dma_wait3A_539 = tpu.memref_slice %arg9[%dma_wait3A_537, %dma_wait3A_538] : memref<2x2048xf32, #tpu.memory_space<vmem>> -> memref<1x2048xf32, #tpu.memory_space<vmem>>
          tpu.wait_dma2 semaphore(%arg11 : memref<!tpu.dma_semaphore, #tpu.memory_space<semaphore_mem>>) src(%dma_wait3A_539 : memref<1x2048xf32, #tpu.memory_space<vmem>>) dst(%dma_wait3A_536 : memref<1x2048xf32, #tpu.memory_space<hbm>>)
        }
        %eq3A_493 = vector.broadcast %select_n3A_476 : i32 to vector<16xi32>
        %eq3A_494 = arith.cmpi eq, %select_n3A_332, %eq3A_493 : vector<16xi32>
        %jit3A_495 = arith.constant 1 : i32
        %jit3A_496 = arith.constant 0 : i32
        %broadcast_in_dim3A_497 = vector.broadcast %jit3A_495 : i32 to vector<16xi32>
        %broadcast_in_dim3A_498 = vector.broadcast %jit3A_496 : i32 to vector<16xi32>
        %select_n3A_499 = arith.select %eq3A_494, %broadcast_in_dim3A_497, %broadcast_in_dim3A_498 : vector<16xi1>, vector<16xi32>
        %mul3A_500 = arith.muli %select_n3A_422, %select_n3A_499 : vector<16xi32>
        %broadcast_in_dim3A_501 = arith.constant true
        %broadcast_in_dim3A_502 = vector.broadcast %broadcast_in_dim3A_501 : i1 to vector<16xi1>
        %masked_cumsum3A_503 = tpu.scan <sum>, %mul3A_500 masked %broadcast_in_dim3A_502 : vector<16xi32>, vector<16xi1> -> vector<16xi32>
        %sub3A_504 = arith.constant 1 : i32
        %sub3A_505 = vector.broadcast %sub3A_504 : i32 to vector<16xi32>
        %sub3A_506 = arith.subi %masked_cumsum3A_503, %sub3A_505 : vector<16xi32>
        %parallel_loop3A = arith.constant 0 : i32
        %parallel_loop3A_507 = arith.constant 128 : i32
        %parallel_loop3A_508 = arith.constant 1 : i32
        scf.for %parallel_loop3A_527 = %parallel_loop3A to %parallel_loop3A_507 step %parallel_loop3A_508  : i32 {
          %parallel_loop3A_528 = arith.constant 16 : i32
          %parallel_loop3A_529 = arith.muli %parallel_loop3A_527, %parallel_loop3A_528 : i32
          %parallel_loop3A_530 = arith.index_cast %select_n3A_476 : i32 to index
          %parallel_loop3A_531 = arith.index_cast %parallel_loop3A_529 : i32 to index
          %parallel_loop3A_532 = tpu.vector_load %arg6[%parallel_loop3A_530, %parallel_loop3A_531] {strides = array<i32>} : memref<2x2048xi32, #tpu.memory_space<vmem>>, vector<16xi32>,
          %parallel_loop3A_533 = tpu.vector_load_idx %arg8[%broadcast_in_dim3A_406, %parallel_loop3A_532] : memref<2x49152xf32, #tpu.memory_space<vmem>>[vector<16xi32>, vector<16xi32>], vector<16xf32>,
          %parallel_loop3A_534 = arith.index_cast %rem3A_479 : i32 to index
          %parallel_loop3A_535 = arith.index_cast %parallel_loop3A_529 : i32 to index
          %parallel_loop3A_536 = tpu.vector_load %arg9[%parallel_loop3A_534, %parallel_loop3A_535] {strides = array<i32>} : memref<2x2048xf32, #tpu.memory_space<vmem>>, vector<16xf32>,
          tpu.vector_store %arg9[%parallel_loop3A_534, %parallel_loop3A_535], %parallel_loop3A_533 {strides = array<i32>} : memref<2x2048xf32, #tpu.memory_space<vmem>>, vector<16xf32>,
        } {sc.loop_unroll_factor = 16 : i64, sc.parallel_access}
        %while3A_509 = arith.constant 0 : i32
        %while3A_510 = arith.constant 0 : i32
        %while3A_511 = arith.subi %select_n3A_477, %while3A_510 : i32
        %while3A_512 = arith.addi %while3A_510, %while3A_511 : i32
        %while3A_513 = arith.constant 1 : i32
        %while3A_514 = arith.divsi %while3A_511, %while3A_513 : i32
        %while3A_515 = arith.muli %while3A_514, %while3A_513 : i32
        %while3A_516 = arith.addi %while3A_510, %while3A_515 : i32
        %while3A_517 = arith.constant 1 : i32
        scf.for %while3A_527 = %while3A_510 to %while3A_516 step %while3A_517  : i32 {
          %gt3A_528 = arith.constant 0 : i32
          %gt3A_529 = vector.broadcast %gt3A_528 : i32 to vector<16xi32>
          %gt3A_530 = arith.cmpi sgt, %mul3A_500, %gt3A_529 : vector<16xi32>
          %eq3A_531 = vector.broadcast %while3A_527 : i32 to vector<16xi32>
          %eq3A_532 = arith.cmpi eq, %sub3A_506, %eq3A_531 : vector<16xi32>
          %and3A_533 = arith.andi %gt3A_530, %eq3A_532 : vector<16xi1>
          %jit3A_534 = arith.constant -1 : i32
          %broadcast_in_dim3A_535 = vector.broadcast %jit3A_534 : i32 to vector<16xi32>
          %select_n3A_536 = arith.select %and3A_533, %iota3A, %broadcast_in_dim3A_535 : vector<16xi1>, vector<16xi32>
          %reduce_max3A_537 = arith.constant true
          %reduce_max3A_538 = vector.broadcast %reduce_max3A_537 : i1 to vector<16xi1>
          %reduce_max3A_539 = arith.constant -2147483648 : i32
          %reduce_max3A_540 = vector.broadcast %reduce_max3A_539 : i32 to vector<16xi32>
          %reduce_max3A_541 = arith.xori %select_n3A_536, %reduce_max3A_540 : vector<16xi32>
          %reduce_max3A_542 = tpu.scan <max>, %reduce_max3A_541 masked %reduce_max3A_538 : vector<16xi32>, vector<16xi1> -> vector<16xi32>
          %reduce_max3A_543 = arith.xori %reduce_max3A_542, %reduce_max3A_540 : vector<16xi32>
          %reduce_max3A_544 = vector.extract %reduce_max3A_543[15] : i32 from vector<16xi32>
          %mul3A_545 = arith.constant 64 : i32
          %mul3A_546 = arith.muli %reduce_max3A_544, %mul3A_545 : i32
          %add3A_547 = arith.addi %mul3A_546, %rem3A_389 : i32
          %dma_start3A_548 = arith.constant 0 : i32
          %dma_start3A_549 = tpu.memref_slice %arg9[%rem3A_479, %dma_start3A_548] : memref<2x2048xf32, #tpu.memory_space<vmem>> -> memref<1x2048xf32, #tpu.memory_space<vmem>>
          %dma_start3A_550 = arith.constant 0 : i32
          %dma_start3A_551 = tpu.memref_slice %arg5[%add3A_547, %dma_start3A_550] : memref<512x2048xf32, #tpu.memory_space<hbm>> -> memref<1x2048xf32, #tpu.memory_space<hbm>>
          %dma_start3A_552 = arith.constant 0 : i32
          %dma_start3A_553 = tpu.memref_slice %arg5[%add3A_547, %dma_start3A_552] : memref<512x2048xf32, #tpu.memory_space<hbm>> -> memref<1x2048xf32, #tpu.memory_space<hbm>>
          %dma_start3A_554 = arith.constant 0 : i32
          %dma_start3A_555 = tpu.memref_slice %arg9[%rem3A_479, %dma_start3A_554] : memref<2x2048xf32, #tpu.memory_space<vmem>> -> memref<1x2048xf32, #tpu.memory_space<vmem>>
          tpu.enqueue_dma source(%dma_start3A_555 : memref<1x2048xf32, #tpu.memory_space<vmem>>) target(%dma_start3A_553 : memref<1x2048xf32, #tpu.memory_space<hbm>>) target_semaphore(%arg11 : memref<!tpu.dma_semaphore, #tpu.memory_space<semaphore_mem>>)
        }
        %while3A_518 = arith.constant 1 : i32
        scf.for %while3A_527 = %while3A_516 to %while3A_512 step %while3A_518  : i32 {
          %gt3A_528 = arith.constant 0 : i32
          %gt3A_529 = vector.broadcast %gt3A_528 : i32 to vector<16xi32>
          %gt3A_530 = arith.cmpi sgt, %mul3A_500, %gt3A_529 : vector<16xi32>
          %eq3A_531 = vector.broadcast %while3A_527 : i32 to vector<16xi32>
          %eq3A_532 = arith.cmpi eq, %sub3A_506, %eq3A_531 : vector<16xi32>
          %and3A_533 = arith.andi %gt3A_530, %eq3A_532 : vector<16xi1>
          %jit3A_534 = arith.constant -1 : i32
          %broadcast_in_dim3A_535 = vector.broadcast %jit3A_534 : i32 to vector<16xi32>
          %select_n3A_536 = arith.select %and3A_533, %iota3A, %broadcast_in_dim3A_535 : vector<16xi1>, vector<16xi32>
          %reduce_max3A_537 = arith.constant true
          %reduce_max3A_538 = vector.broadcast %reduce_max3A_537 : i1 to vector<16xi1>
          %reduce_max3A_539 = arith.constant -2147483648 : i32
          %reduce_max3A_540 = vector.broadcast %reduce_max3A_539 : i32 to vector<16xi32>
          %reduce_max3A_541 = arith.xori %select_n3A_536, %reduce_max3A_540 : vector<16xi32>
          %reduce_max3A_542 = tpu.scan <max>, %reduce_max3A_541 masked %reduce_max3A_538 : vector<16xi32>, vector<16xi1> -> vector<16xi32>
          %reduce_max3A_543 = arith.xori %reduce_max3A_542, %reduce_max3A_540 : vector<16xi32>
          %reduce_max3A_544 = vector.extract %reduce_max3A_543[15] : i32 from vector<16xi32>
          %mul3A_545 = arith.constant 64 : i32
          %mul3A_546 = arith.muli %reduce_max3A_544, %mul3A_545 : i32
          %add3A_547 = arith.addi %mul3A_546, %rem3A_389 : i32
          %dma_start3A_548 = arith.constant 0 : i32
          %dma_start3A_549 = tpu.memref_slice %arg9[%rem3A_479, %dma_start3A_548] : memref<2x2048xf32, #tpu.memory_space<vmem>> -> memref<1x2048xf32, #tpu.memory_space<vmem>>
          %dma_start3A_550 = arith.constant 0 : i32
          %dma_start3A_551 = tpu.memref_slice %arg5[%add3A_547, %dma_start3A_550] : memref<512x2048xf32, #tpu.memory_space<hbm>> -> memref<1x2048xf32, #tpu.memory_space<hbm>>
          %dma_start3A_552 = arith.constant 0 : i32
          %dma_start3A_553 = tpu.memref_slice %arg5[%add3A_547, %dma_start3A_552] : memref<512x2048xf32, #tpu.memory_space<hbm>> -> memref<1x2048xf32, #tpu.memory_space<hbm>>
          %dma_start3A_554 = arith.constant 0 : i32
          %dma_start3A_555 = tpu.memref_slice %arg9[%rem3A_479, %dma_start3A_554] : memref<2x2048xf32, #tpu.memory_space<vmem>> -> memref<1x2048xf32, #tpu.memory_space<vmem>>
          tpu.enqueue_dma source(%dma_start3A_555 : memref<1x2048xf32, #tpu.memory_space<vmem>>) target(%dma_start3A_553 : memref<1x2048xf32, #tpu.memory_space<hbm>>) target_semaphore(%arg11 : memref<!tpu.dma_semaphore, #tpu.memory_space<semaphore_mem>>)
        }
        %eq3A_519 = arith.constant 0 : i32
        %eq3A_520 = arith.cmpi eq, %rem3A_479, %eq3A_519 : i32
        %select_n3A_521 = arith.select %eq3A_520, %select_n3A_477, %while3A_467 : i32
        %eq3A_522 = arith.constant 1 : i32
        %eq3A_523 = arith.cmpi eq, %rem3A_479, %eq3A_522 : i32
        %select_n3A_524 = arith.select %eq3A_523, %select_n3A_477, %while3A_468 : i32
        %add3A_525 = arith.constant 1 : i32
        %add3A_526 = arith.addi %while3A_466, %add3A_525 : i32
        scf.yield %add3A_526, %select_n3A_521, %select_n3A_524 : i32, i32, i32
      }
      %while3A_459 = arith.constant 1 : i32
      %while3A_460:3 = scf.for %while3A_465 = %while3A_456 to %while3A_452 step %while3A_459 iter_args(%while3A_466 = %while3A_458#0, %while3A_467 = %while3A_458#1, %while3A_468 = %while3A_458#2) -> (i32, i32, i32)  : i32 {
        %eq3A_469 = arith.constant 0 : i32
        %eq3A_470 = arith.cmpi eq, %while3A_465, %eq3A_469 : i32
        %gt3A_471 = arith.constant 0 : i32
        %gt3A_472 = arith.cmpi sgt, %reduce_sum3A_434, %gt3A_471 : i32
        %and3A_473 = arith.andi %eq3A_470, %gt3A_472 : i1
        %jit3A_474 = arith.constant 0 : i32
        %jit3A_475 = arith.constant 1 : i32
        %select_n3A_476 = arith.select %and3A_473, %jit3A_474, %jit3A_475 : i32
        %select_n3A_477 = arith.select %and3A_473, %reduce_sum3A_434, %sub3A_439 : i32
        %rem3A_478 = arith.constant 2 : i32
        %rem3A_479 = arith.remsi %while3A_466, %rem3A_478 : i32
        %eq3A_480 = arith.constant 0 : i32
        %eq3A_481 = arith.cmpi eq, %rem3A_479, %eq3A_480 : i32
        %select_n3A_482 = arith.select %eq3A_481, %while3A_467, %while3A_468 : i32
        %while3A_483 = arith.constant 0 : i32
        %while3A_484 = arith.constant 0 : i32
        %while3A_485 = arith.subi %select_n3A_482, %while3A_484 : i32
        %while3A_486 = arith.addi %while3A_484, %while3A_485 : i32
        %while3A_487 = arith.constant 1 : i32
        %while3A_488 = arith.divsi %while3A_485, %while3A_487 : i32
        %while3A_489 = arith.muli %while3A_488, %while3A_487 : i32
        %while3A_490 = arith.addi %while3A_484, %while3A_489 : i32
        %while3A_491 = arith.constant 1 : i32
        scf.for %while3A_527 = %while3A_484 to %while3A_490 step %while3A_491  : i32 {
          %dma_wait3A_528 = arith.constant 0 : i32
          %dma_wait3A_529 = arith.constant 0 : i32
          %dma_wait3A_530 = tpu.memref_slice %arg9[%dma_wait3A_528, %dma_wait3A_529] : memref<2x2048xf32, #tpu.memory_space<vmem>> -> memref<1x2048xf32, #tpu.memory_space<vmem>>
          %dma_wait3A_531 = arith.constant 0 : i32
          %dma_wait3A_532 = arith.constant 0 : i32
          %dma_wait3A_533 = tpu.memref_slice %arg5[%dma_wait3A_531, %dma_wait3A_532] : memref<512x2048xf32, #tpu.memory_space<hbm>> -> memref<1x2048xf32, #tpu.memory_space<hbm>>
          %dma_wait3A_534 = arith.constant 0 : i32
          %dma_wait3A_535 = arith.constant 0 : i32
          %dma_wait3A_536 = tpu.memref_slice %arg5[%dma_wait3A_534, %dma_wait3A_535] : memref<512x2048xf32, #tpu.memory_space<hbm>> -> memref<1x2048xf32, #tpu.memory_space<hbm>>
          %dma_wait3A_537 = arith.constant 0 : i32
          %dma_wait3A_538 = arith.constant 0 : i32
          %dma_wait3A_539 = tpu.memref_slice %arg9[%dma_wait3A_537, %dma_wait3A_538] : memref<2x2048xf32, #tpu.memory_space<vmem>> -> memref<1x2048xf32, #tpu.memory_space<vmem>>
          tpu.wait_dma2 semaphore(%arg11 : memref<!tpu.dma_semaphore, #tpu.memory_space<semaphore_mem>>) src(%dma_wait3A_539 : memref<1x2048xf32, #tpu.memory_space<vmem>>) dst(%dma_wait3A_536 : memref<1x2048xf32, #tpu.memory_space<hbm>>)
        }
        %while3A_492 = arith.constant 1 : i32
        scf.for %while3A_527 = %while3A_490 to %while3A_486 step %while3A_492  : i32 {
          %dma_wait3A_528 = arith.constant 0 : i32
          %dma_wait3A_529 = arith.constant 0 : i32
          %dma_wait3A_530 = tpu.memref_slice %arg9[%dma_wait3A_528, %dma_wait3A_529] : memref<2x2048xf32, #tpu.memory_space<vmem>> -> memref<1x2048xf32, #tpu.memory_space<vmem>>
          %dma_wait3A_531 = arith.constant 0 : i32
          %dma_wait3A_532 = arith.constant 0 : i32
          %dma_wait3A_533 = tpu.memref_slice %arg5[%dma_wait3A_531, %dma_wait3A_532] : memref<512x2048xf32, #tpu.memory_space<hbm>> -> memref<1x2048xf32, #tpu.memory_space<hbm>>
          %dma_wait3A_534 = arith.constant 0 : i32
          %dma_wait3A_535 = arith.constant 0 : i32
          %dma_wait3A_536 = tpu.memref_slice %arg5[%dma_wait3A_534, %dma_wait3A_535] : memref<512x2048xf32, #tpu.memory_space<hbm>> -> memref<1x2048xf32, #tpu.memory_space<hbm>>
          %dma_wait3A_537 = arith.constant 0 : i32
          %dma_wait3A_538 = arith.constant 0 : i32
          %dma_wait3A_539 = tpu.memref_slice %arg9[%dma_wait3A_537, %dma_wait3A_538] : memref<2x2048xf32, #tpu.memory_space<vmem>> -> memref<1x2048xf32, #tpu.memory_space<vmem>>
          tpu.wait_dma2 semaphore(%arg11 : memref<!tpu.dma_semaphore, #tpu.memory_space<semaphore_mem>>) src(%dma_wait3A_539 : memref<1x2048xf32, #tpu.memory_space<vmem>>) dst(%dma_wait3A_536 : memref<1x2048xf32, #tpu.memory_space<hbm>>)
        }
        %eq3A_493 = vector.broadcast %select_n3A_476 : i32 to vector<16xi32>
        %eq3A_494 = arith.cmpi eq, %select_n3A_332, %eq3A_493 : vector<16xi32>
        %jit3A_495 = arith.constant 1 : i32
        %jit3A_496 = arith.constant 0 : i32
        %broadcast_in_dim3A_497 = vector.broadcast %jit3A_495 : i32 to vector<16xi32>
        %broadcast_in_dim3A_498 = vector.broadcast %jit3A_496 : i32 to vector<16xi32>
        %select_n3A_499 = arith.select %eq3A_494, %broadcast_in_dim3A_497, %broadcast_in_dim3A_498 : vector<16xi1>, vector<16xi32>
        %mul3A_500 = arith.muli %select_n3A_422, %select_n3A_499 : vector<16xi32>
        %broadcast_in_dim3A_501 = arith.constant true
        %broadcast_in_dim3A_502 = vector.broadcast %broadcast_in_dim3A_501 : i1 to vector<16xi1>
        %masked_cumsum3A_503 = tpu.scan <sum>, %mul3A_500 masked %broadcast_in_dim3A_502 : vector<16xi32>, vector<16xi1> -> vector<16xi32>
        %sub3A_504 = arith.constant 1 : i32
        %sub3A_505 = vector.broadcast %sub3A_504 : i32 to vector<16xi32>
        %sub3A_506 = arith.subi %masked_cumsum3A_503, %sub3A_505 : vector<16xi32>
        %parallel_loop3A = arith.constant 0 : i32
        %parallel_loop3A_507 = arith.constant 128 : i32
        %parallel_loop3A_508 = arith.constant 1 : i32
        scf.for %parallel_loop3A_527 = %parallel_loop3A to %parallel_loop3A_507 step %parallel_loop3A_508  : i32 {
          %parallel_loop3A_528 = arith.constant 16 : i32
          %parallel_loop3A_529 = arith.muli %parallel_loop3A_527, %parallel_loop3A_528 : i32
          %parallel_loop3A_530 = arith.index_cast %select_n3A_476 : i32 to index
          %parallel_loop3A_531 = arith.index_cast %parallel_loop3A_529 : i32 to index
          %parallel_loop3A_532 = tpu.vector_load %arg6[%parallel_loop3A_530, %parallel_loop3A_531] {strides = array<i32>} : memref<2x2048xi32, #tpu.memory_space<vmem>>, vector<16xi32>,
          %parallel_loop3A_533 = tpu.vector_load_idx %arg8[%broadcast_in_dim3A_406, %parallel_loop3A_532] : memref<2x49152xf32, #tpu.memory_space<vmem>>[vector<16xi32>, vector<16xi32>], vector<16xf32>,
          %parallel_loop3A_534 = arith.index_cast %rem3A_479 : i32 to index
          %parallel_loop3A_535 = arith.index_cast %parallel_loop3A_529 : i32 to index
          %parallel_loop3A_536 = tpu.vector_load %arg9[%parallel_loop3A_534, %parallel_loop3A_535] {strides = array<i32>} : memref<2x2048xf32, #tpu.memory_space<vmem>>, vector<16xf32>,
          tpu.vector_store %arg9[%parallel_loop3A_534, %parallel_loop3A_535], %parallel_loop3A_533 {strides = array<i32>} : memref<2x2048xf32, #tpu.memory_space<vmem>>, vector<16xf32>,
        } {sc.loop_unroll_factor = 16 : i64, sc.parallel_access}
        %while3A_509 = arith.constant 0 : i32
        %while3A_510 = arith.constant 0 : i32
        %while3A_511 = arith.subi %select_n3A_477, %while3A_510 : i32
        %while3A_512 = arith.addi %while3A_510, %while3A_511 : i32
        %while3A_513 = arith.constant 1 : i32
        %while3A_514 = arith.divsi %while3A_511, %while3A_513 : i32
        %while3A_515 = arith.muli %while3A_514, %while3A_513 : i32
        %while3A_516 = arith.addi %while3A_510, %while3A_515 : i32
        %while3A_517 = arith.constant 1 : i32
        scf.for %while3A_527 = %while3A_510 to %while3A_516 step %while3A_517  : i32 {
          %gt3A_528 = arith.constant 0 : i32
          %gt3A_529 = vector.broadcast %gt3A_528 : i32 to vector<16xi32>
          %gt3A_530 = arith.cmpi sgt, %mul3A_500, %gt3A_529 : vector<16xi32>
          %eq3A_531 = vector.broadcast %while3A_527 : i32 to vector<16xi32>
          %eq3A_532 = arith.cmpi eq, %sub3A_506, %eq3A_531 : vector<16xi32>
          %and3A_533 = arith.andi %gt3A_530, %eq3A_532 : vector<16xi1>
          %jit3A_534 = arith.constant -1 : i32
          %broadcast_in_dim3A_535 = vector.broadcast %jit3A_534 : i32 to vector<16xi32>
          %select_n3A_536 = arith.select %and3A_533, %iota3A, %broadcast_in_dim3A_535 : vector<16xi1>, vector<16xi32>
          %reduce_max3A_537 = arith.constant true
          %reduce_max3A_538 = vector.broadcast %reduce_max3A_537 : i1 to vector<16xi1>
          %reduce_max3A_539 = arith.constant -2147483648 : i32
          %reduce_max3A_540 = vector.broadcast %reduce_max3A_539 : i32 to vector<16xi32>
          %reduce_max3A_541 = arith.xori %select_n3A_536, %reduce_max3A_540 : vector<16xi32>
          %reduce_max3A_542 = tpu.scan <max>, %reduce_max3A_541 masked %reduce_max3A_538 : vector<16xi32>, vector<16xi1> -> vector<16xi32>
          %reduce_max3A_543 = arith.xori %reduce_max3A_542, %reduce_max3A_540 : vector<16xi32>
          %reduce_max3A_544 = vector.extract %reduce_max3A_543[15] : i32 from vector<16xi32>
          %mul3A_545 = arith.constant 64 : i32
          %mul3A_546 = arith.muli %reduce_max3A_544, %mul3A_545 : i32
          %add3A_547 = arith.addi %mul3A_546, %rem3A_389 : i32
          %dma_start3A_548 = arith.constant 0 : i32
          %dma_start3A_549 = tpu.memref_slice %arg9[%rem3A_479, %dma_start3A_548] : memref<2x2048xf32, #tpu.memory_space<vmem>> -> memref<1x2048xf32, #tpu.memory_space<vmem>>
          %dma_start3A_550 = arith.constant 0 : i32
          %dma_start3A_551 = tpu.memref_slice %arg5[%add3A_547, %dma_start3A_550] : memref<512x2048xf32, #tpu.memory_space<hbm>> -> memref<1x2048xf32, #tpu.memory_space<hbm>>
          %dma_start3A_552 = arith.constant 0 : i32
          %dma_start3A_553 = tpu.memref_slice %arg5[%add3A_547, %dma_start3A_552] : memref<512x2048xf32, #tpu.memory_space<hbm>> -> memref<1x2048xf32, #tpu.memory_space<hbm>>
          %dma_start3A_554 = arith.constant 0 : i32
          %dma_start3A_555 = tpu.memref_slice %arg9[%rem3A_479, %dma_start3A_554] : memref<2x2048xf32, #tpu.memory_space<vmem>> -> memref<1x2048xf32, #tpu.memory_space<vmem>>
          tpu.enqueue_dma source(%dma_start3A_555 : memref<1x2048xf32, #tpu.memory_space<vmem>>) target(%dma_start3A_553 : memref<1x2048xf32, #tpu.memory_space<hbm>>) target_semaphore(%arg11 : memref<!tpu.dma_semaphore, #tpu.memory_space<semaphore_mem>>)
        }
        %while3A_518 = arith.constant 1 : i32
        scf.for %while3A_527 = %while3A_516 to %while3A_512 step %while3A_518  : i32 {
          %gt3A_528 = arith.constant 0 : i32
          %gt3A_529 = vector.broadcast %gt3A_528 : i32 to vector<16xi32>
          %gt3A_530 = arith.cmpi sgt, %mul3A_500, %gt3A_529 : vector<16xi32>
          %eq3A_531 = vector.broadcast %while3A_527 : i32 to vector<16xi32>
          %eq3A_532 = arith.cmpi eq, %sub3A_506, %eq3A_531 : vector<16xi32>
          %and3A_533 = arith.andi %gt3A_530, %eq3A_532 : vector<16xi1>
          %jit3A_534 = arith.constant -1 : i32
          %broadcast_in_dim3A_535 = vector.broadcast %jit3A_534 : i32 to vector<16xi32>
          %select_n3A_536 = arith.select %and3A_533, %iota3A, %broadcast_in_dim3A_535 : vector<16xi1>, vector<16xi32>
          %reduce_max3A_537 = arith.constant true
          %reduce_max3A_538 = vector.broadcast %reduce_max3A_537 : i1 to vector<16xi1>
          %reduce_max3A_539 = arith.constant -2147483648 : i32
          %reduce_max3A_540 = vector.broadcast %reduce_max3A_539 : i32 to vector<16xi32>
          %reduce_max3A_541 = arith.xori %select_n3A_536, %reduce_max3A_540 : vector<16xi32>
          %reduce_max3A_542 = tpu.scan <max>, %reduce_max3A_541 masked %reduce_max3A_538 : vector<16xi32>, vector<16xi1> -> vector<16xi32>
          %reduce_max3A_543 = arith.xori %reduce_max3A_542, %reduce_max3A_540 : vector<16xi32>
          %reduce_max3A_544 = vector.extract %reduce_max3A_543[15] : i32 from vector<16xi32>
          %mul3A_545 = arith.constant 64 : i32
          %mul3A_546 = arith.muli %reduce_max3A_544, %mul3A_545 : i32
          %add3A_547 = arith.addi %mul3A_546, %rem3A_389 : i32
          %dma_start3A_548 = arith.constant 0 : i32
          %dma_start3A_549 = tpu.memref_slice %arg9[%rem3A_479, %dma_start3A_548] : memref<2x2048xf32, #tpu.memory_space<vmem>> -> memref<1x2048xf32, #tpu.memory_space<vmem>>
          %dma_start3A_550 = arith.constant 0 : i32
          %dma_start3A_551 = tpu.memref_slice %arg5[%add3A_547, %dma_start3A_550] : memref<512x2048xf32, #tpu.memory_space<hbm>> -> memref<1x2048xf32, #tpu.memory_space<hbm>>
          %dma_start3A_552 = arith.constant 0 : i32
          %dma_start3A_553 = tpu.memref_slice %arg5[%add3A_547, %dma_start3A_552] : memref<512x2048xf32, #tpu.memory_space<hbm>> -> memref<1x2048xf32, #tpu.memory_space<hbm>>
          %dma_start3A_554 = arith.constant 0 : i32
          %dma_start3A_555 = tpu.memref_slice %arg9[%rem3A_479, %dma_start3A_554] : memref<2x2048xf32, #tpu.memory_space<vmem>> -> memref<1x2048xf32, #tpu.memory_space<vmem>>
          tpu.enqueue_dma source(%dma_start3A_555 : memref<1x2048xf32, #tpu.memory_space<vmem>>) target(%dma_start3A_553 : memref<1x2048xf32, #tpu.memory_space<hbm>>) target_semaphore(%arg11 : memref<!tpu.dma_semaphore, #tpu.memory_space<semaphore_mem>>)
        }
        %eq3A_519 = arith.constant 0 : i32
        %eq3A_520 = arith.cmpi eq, %rem3A_479, %eq3A_519 : i32
        %select_n3A_521 = arith.select %eq3A_520, %select_n3A_477, %while3A_467 : i32
        %eq3A_522 = arith.constant 1 : i32
        %eq3A_523 = arith.cmpi eq, %rem3A_479, %eq3A_522 : i32
        %select_n3A_524 = arith.select %eq3A_523, %select_n3A_477, %while3A_468 : i32
        %add3A_525 = arith.constant 1 : i32
        %add3A_526 = arith.addi %while3A_466, %add3A_525 : i32
        scf.yield %add3A_526, %select_n3A_521, %select_n3A_524 : i32, i32, i32
      }
      %add3A_461 = arith.constant 2 : i32
      %add3A_462 = arith.addi %while3A_357, %add3A_461 : i32
      %lt3A_463 = arith.cmpi slt, %add3A_462, %select_n3A_192 : i32
      %convert_element_type3A = arith.extui %lt3A_463 : i1 to i32
      %cond3A = arith.constant 0 : i32
      %cond3A_464 = arith.cmpi ne, %convert_element_type3A, %cond3A : i32
      scf.if %cond3A_464 {
        %add3A_465 = arith.constant 2 : i32
        %add3A_466 = arith.addi %while3A_357, %add3A_465 : i32
        %mul3A_467 = arith.constant 32 : i32
        %mul3A_468 = arith.muli %mul3A_467, %add3A_466 : i32
        %add3A_469 = arith.addi %add3A, %mul3A_468 : i32
        %jit3A_470 = arith.constant 64 : i32
        %div3A_471 = arith.divsi %add3A_469, %jit3A_470 : i32
        %sign3A_472 = arith.constant 0 : i32
        %sign3A_473 = arith.cmpi sgt, %add3A_469, %sign3A_472 : i32
        %sign3A_474 = arith.extui %sign3A_473 : i1 to i32
        %sign3A_475 = arith.constant 0 : i32
        %sign3A_476 = arith.cmpi slt, %add3A_469, %sign3A_475 : i32
        %sign3A_477 = arith.extui %sign3A_476 : i1 to i32
        %sign3A_478 = arith.subi %sign3A_474, %sign3A_477 : i32
        %sign3A_479 = arith.constant 0 : i32
        %sign3A_480 = arith.cmpi sgt, %jit3A_470, %sign3A_479 : i32
        %sign3A_481 = arith.extui %sign3A_480 : i1 to i32
        %sign3A_482 = arith.constant 0 : i32
        %sign3A_483 = arith.cmpi slt, %jit3A_470, %sign3A_482 : i32
        %sign3A_484 = arith.extui %sign3A_483 : i1 to i32
        %sign3A_485 = arith.subi %sign3A_481, %sign3A_484 : i32
        %ne3A_486 = arith.cmpi ne, %sign3A_478, %sign3A_485 : i32
        %rem3A_487 = arith.remsi %add3A_469, %jit3A_470 : i32
        %ne3A_488 = arith.constant 0 : i32
        %ne3A_489 = arith.cmpi ne, %rem3A_487, %ne3A_488 : i32
        %and3A_490 = arith.andi %ne3A_486, %ne3A_489 : i1
        %sub3A_491 = arith.constant 1 : i32
        %sub3A_492 = arith.subi %div3A_471, %sub3A_491 : i32
        %select_n3A_493 = arith.select %and3A_490, %sub3A_492, %div3A_471 : i32
        %rem3A_494 = arith.constant 64 : i32
        %rem3A_495 = arith.remsi %add3A_469, %rem3A_494 : i32
        %eq3A_496 = vector.broadcast %select_n3A_493 : i32 to vector<16xi32>
        %eq3A_497 = arith.cmpi eq, %sub3A_160, %eq3A_496 : vector<16xi32>
        %and3A_498 = arith.andi %eq3A_497, %and3A : vector<16xi1>
        %jit3A_499 = arith.constant -1 : i32
        %broadcast_in_dim3A_500 = vector.broadcast %jit3A_499 : i32 to vector<16xi32>
        %select_n3A_501 = arith.select %and3A_498, %get3A_1, %broadcast_in_dim3A_500 : vector<16xi1>, vector<16xi32>
        %reduce_max3A_502 = arith.constant true
        %reduce_max3A_503 = vector.broadcast %reduce_max3A_502 : i1 to vector<16xi1>
        %reduce_max3A_504 = arith.constant -2147483648 : i32
        %reduce_max3A_505 = vector.broadcast %reduce_max3A_504 : i32 to vector<16xi32>
        %reduce_max3A_506 = arith.xori %select_n3A_501, %reduce_max3A_505 : vector<16xi32>
        %reduce_max3A_507 = tpu.scan <max>, %reduce_max3A_506 masked %reduce_max3A_503 : vector<16xi32>, vector<16xi1> -> vector<16xi32>
        %reduce_max3A_508 = arith.xori %reduce_max3A_507, %reduce_max3A_505 : vector<16xi32>
        %reduce_max3A_509 = vector.extract %reduce_max3A_508[15] : i32 from vector<16xi32>
        %mul3A_510 = arith.constant 64 : i32
        %mul3A_511 = arith.muli %reduce_max3A_509, %mul3A_510 : i32
        %add3A_512 = arith.addi %mul3A_511, %rem3A_495 : i32
        %dma_start3A_513 = arith.constant 0 : i32
        %dma_start3A_514 = tpu.memref_slice %arg8[%rem3A_405, %dma_start3A_513] : memref<2x49152xf32, #tpu.memory_space<vmem>> -> memref<1x49152xf32, #tpu.memory_space<vmem>>
        %dma_start3A_515 = arith.constant 0 : i32
        %dma_start3A_516 = tpu.memref_slice %arg4[%add3A_512, %dma_start3A_515] : memref<512x49152xf32, #tpu.memory_space<hbm>> -> memref<1x49152xf32, #tpu.memory_space<hbm>>
        %dma_start3A_517 = arith.constant 0 : i32
        %dma_start3A_518 = tpu.memref_slice %arg8[%rem3A_405, %dma_start3A_517] : memref<2x49152xf32, #tpu.memory_space<vmem>> -> memref<1x49152xf32, #tpu.memory_space<vmem>>
        %dma_start3A_519 = arith.constant 0 : i32
        %dma_start3A_520 = tpu.memref_slice %arg4[%add3A_512, %dma_start3A_519] : memref<512x49152xf32, #tpu.memory_space<hbm>> -> memref<1x49152xf32, #tpu.memory_space<hbm>>
        tpu.enqueue_dma source(%dma_start3A_520 : memref<1x49152xf32, #tpu.memory_space<hbm>>) target(%dma_start3A_518 : memref<1x49152xf32, #tpu.memory_space<vmem>>) target_semaphore(%arg10 : memref<!tpu.dma_semaphore, #tpu.memory_space<semaphore_mem>>)
      } else {
      }
      scf.yield %while3A_460#0, %while3A_460#1, %while3A_460#2 : i32, i32, i32
    }
    %add3A_346 = arith.addi %while3A_345#1, %while3A_345#2 : i32
    %while3A_347 = arith.constant 0 : i32
    %while3A_348 = arith.constant 0 : i32
    %while3A_349 = arith.subi %add3A_346, %while3A_348 : i32
    %while3A_350 = arith.addi %while3A_348, %while3A_349 : i32
    %while3A_351 = arith.constant 1 : i32
    %while3A_352 = arith.divsi %while3A_349, %while3A_351 : i32
    %while3A_353 = arith.muli %while3A_352, %while3A_351 : i32
    %while3A_354 = arith.addi %while3A_348, %while3A_353 : i32
    %while3A_355 = arith.constant 1 : i32
    scf.for %while3A_357 = %while3A_348 to %while3A_354 step %while3A_355  : i32 {
      %dma_wait3A = arith.constant 0 : i32
      %dma_wait3A_358 = arith.constant 0 : i32
      %dma_wait3A_359 = tpu.memref_slice %arg9[%dma_wait3A, %dma_wait3A_358] : memref<2x2048xf32, #tpu.memory_space<vmem>> -> memref<1x2048xf32, #tpu.memory_space<vmem>>
      %dma_wait3A_360 = arith.constant 0 : i32
      %dma_wait3A_361 = arith.constant 0 : i32
      %dma_wait3A_362 = tpu.memref_slice %arg5[%dma_wait3A_360, %dma_wait3A_361] : memref<512x2048xf32, #tpu.memory_space<hbm>> -> memref<1x2048xf32, #tpu.memory_space<hbm>>
      %dma_wait3A_363 = arith.constant 0 : i32
      %dma_wait3A_364 = arith.constant 0 : i32
      %dma_wait3A_365 = tpu.memref_slice %arg5[%dma_wait3A_363, %dma_wait3A_364] : memref<512x2048xf32, #tpu.memory_space<hbm>> -> memref<1x2048xf32, #tpu.memory_space<hbm>>
      %dma_wait3A_366 = arith.constant 0 : i32
      %dma_wait3A_367 = arith.constant 0 : i32
      %dma_wait3A_368 = tpu.memref_slice %arg9[%dma_wait3A_366, %dma_wait3A_367] : memref<2x2048xf32, #tpu.memory_space<vmem>> -> memref<1x2048xf32, #tpu.memory_space<vmem>>
      tpu.wait_dma2 semaphore(%arg11 : memref<!tpu.dma_semaphore, #tpu.memory_space<semaphore_mem>>) src(%dma_wait3A_368 : memref<1x2048xf32, #tpu.memory_space<vmem>>) dst(%dma_wait3A_365 : memref<1x2048xf32, #tpu.memory_space<hbm>>)
    }
    %while3A_356 = arith.constant 1 : i32
    scf.for %while3A_357 = %while3A_354 to %while3A_350 step %while3A_356  : i32 {
      %dma_wait3A = arith.constant 0 : i32
      %dma_wait3A_358 = arith.constant 0 : i32
      %dma_wait3A_359 = tpu.memref_slice %arg9[%dma_wait3A, %dma_wait3A_358] : memref<2x2048xf32, #tpu.memory_space<vmem>> -> memref<1x2048xf32, #tpu.memory_space<vmem>>
      %dma_wait3A_360 = arith.constant 0 : i32
      %dma_wait3A_361 = arith.constant 0 : i32
      %dma_wait3A_362 = tpu.memref_slice %arg5[%dma_wait3A_360, %dma_wait3A_361] : memref<512x2048xf32, #tpu.memory_space<hbm>> -> memref<1x2048xf32, #tpu.memory_space<hbm>>
      %dma_wait3A_363 = arith.constant 0 : i32
      %dma_wait3A_364 = arith.constant 0 : i32
      %dma_wait3A_365 = tpu.memref_slice %arg5[%dma_wait3A_363, %dma_wait3A_364] : memref<512x2048xf32, #tpu.memory_space<hbm>> -> memref<1x2048xf32, #tpu.memory_space<hbm>>
      %dma_wait3A_366 = arith.constant 0 : i32
      %dma_wait3A_367 = arith.constant 0 : i32
      %dma_wait3A_368 = tpu.memref_slice %arg9[%dma_wait3A_366, %dma_wait3A_367] : memref<2x2048xf32, #tpu.memory_space<vmem>> -> memref<1x2048xf32, #tpu.memory_space<vmem>>
      tpu.wait_dma2 semaphore(%arg11 : memref<!tpu.dma_semaphore, #tpu.memory_space<semaphore_mem>>) src(%dma_wait3A_368 : memref<1x2048xf32, #tpu.memory_space<vmem>>) dst(%dma_wait3A_365 : memref<1x2048xf32, #tpu.memory_space<hbm>>)
    }
    return
  }
}

</mosaic_0001>

<sc_bundles>
// kernel: kernel.3.cloned.1.call-start
scs
__scs_entry_jumppad:
0x0: {  	(pc) =	sbr.rel $0x88, $3  }
0x1: {  	(tag) =	ssettag $0x0;
	lr =	simm.s32 $0x1  }
0x2: {  	[smem:$0x3F9E] =	sst lr;
	_ =	strace $0xD0000000  }
0x3: {  	_ = 	snop  }
0x4: {  	_ = 	snop  }
0x5: {  	_ = 	snop  }
0x6: {  	_ = 	snop  }
0x7: {  	_ = 	snop  }
__scs_overlays_trampoline_lowered:
0x8: {  	[smem:$0x3FAD] =	sst s0  }
0x9: {  	[smem:$0x3FAE] =	sst s1  }
0xa: {  	[smem:$0x3FAF] =	sst s2  }
0xb: {  	[smem:$0x3FB0] =	sst s3  }
0xc: {  	[smem:$0x3FB1] =	sst s4  }
0xd: {  	[smem:$0x3FB2] =	sst s5  }
0xe: {  	[smem:$0x3FB3] =	sst s6  }
0xf: {  	[smem:$0x3FB4] =	sst s7  }
0x10: {  	[smem:$0x3FB5] =	sst s8  }
0x11: {  	[smem:$0x3FB6] =	sst s9;
	s0 =	simm.s32 @!p0 $0x0  }
0x12: {  	s1 =	sld [smem:$0x3F9C];
	s0 =	simm.s32 @p0 $0x1  }
0x13: {  	[smem:$0x3FB7] =	sst s0;
	s0 =	simm.s32 @!p1 $0x0  }
0x14: {  	s2 =	sld [smem:$0x3F9B];
	s0 =	simm.s32 @p1 $0x1  }
0x15: {  	[smem:$0x3FB8] =	sst s0;
	s0 =	simm.s32 @!p2 $0x0  }
0x16: {  	s3 =	sld [smem:$0x3FDB];
	s0 =	simm.s32 @p2 $0x1  }
0x17: {  	s4 =	simm.s32 $0x1BF5;
	[smem:$0x3FBA] =	sst s0  }
0x18: {  	s0 =	sld [smem:$0x3F9D];
	_ =	swait.ge [sflag:s4], $0x0  }
0x19: {  	s7 =	sld [smem:$0x3F9E]  }
0x1a: {  	s8 =	sadd.s32 $0xFFFFE003, lr  }
0x1b: {  	s9 =	sadd.s32 $0xFFFFFEF7, lr;
	s5 =	simm.s32 $0xFFFFFFFF;
	p2 =	slt.u32 s8, $0xFFFFF086  }
0x1c: {  	p1 =	slt.u32 s9, $0xF7A;
	s5 =	simm.s32 @!p2 $0x0  }
0x1d: {  	s5 =	simm.s32 @p1 $0x1;
	p0 =	seq.s32 s7, s2  }
0x1e: {  	s7 =	smul.u32 @!p0 $0xF7A, s2;
	p2 =	seq.s32 @!p0 s5, $0x0  }
0x1f: {  	s9 =	smul.u32 $0xF7A, s1;
	s8 =	simm.s32 @!p0 $0x1BF5;
	p2 =	por !p2, p0  }
0x20: {  	[sflag:s8] =	ssyncset.s32 @!p0 $0xFFFFF086;
	s6 =	sadd.s32 @!p0 s3, s7;
	s7 =	simm.s32 @!p0 $0x108  }
0x21: {  	s3 =	sadd.s32 s3, s9;
	s6 =	sadd.s32 @!p0 $0x88, s6;
	s7 =	simm.s32 @p2 $0x1082  }
0x22: {  	[simem:s7], [sflag:s8] =	dma.local @!p0 [hbm:s6], $0xF7A  }
0x23: {  	s9 =	sor.u32 $0xD0000000, s2;
	s6 =	simm.s32 $0x108;
	_ =	swait.ge @!p0 [sflag:s8], $0x0  }
0x24: {  	s3 =	sadd.s32 $0x88, s3;
	s6 =	simm.s32 @!p1 $0x1082;
	[sflag:s4] =	ssyncset.s32 $0xFFFFF086  }
0x25: {  	[simem:s6], [sflag:s4] =	dma.local [hbm:s3], $0xF7A  }
0x26: {  	[smem:$0x3F9E] =	sst s1;
	(tag) =	ssettag s2;
	_ =	strace s9  }
0x27: {  	s1 =	sld [smem:$0x3FAE]  }
0x28: {  	s2 =	sld [smem:$0x3FAF]  }
0x29: {  	s4 =	sld [smem:$0x3FB1]  }
0x2a: {  	p0 =	seq.s32 s5, $0x0;
	s5 =	sld [smem:$0x3FB2]  }
0x2b: {  	s6 =	sld [smem:$0x3FB3]  }
0x2c: {  	s7 =	sld [smem:$0x3FB4]  }
0x2d: {  	s3 =	simm.s32 $0x108;
	s8 =	sld [smem:$0x3FB5]  }
0x2e: {  	s3 =	simm.s32 @!p0 $0x1082;
	s9 =	sld [smem:$0x3FB6]  }
0x2f: {  	lr =	sadd.s32 s0, s3;
	s0 =	sld [smem:$0x3FAD]  }
0x30: {  	s3 =	sld [smem:$0x3FB0]  }
0x31: {  	[smem:$0x3FB9] =	sst s10  }
0x32: {  	s10 =	sld [smem:$0x3FB7];
	_ =	sdelay $0x3  }
0x33: {  	p0 =	seq.s32 s10, $0x1;
	s10 =	sld [smem:$0x3FB9];
	_ =	sdelay $0x3  }
0x34: {  	[smem:$0x3FB9] =	sst s10  }
0x35: {  	s10 =	sld [smem:$0x3FB8];
	_ =	sdelay $0x3  }
0x36: {  	p1 =	seq.s32 s10, $0x1;
	s10 =	sld [smem:$0x3FB9];
	_ =	sdelay $0x3  }
0x37: {  	[smem:$0x3FB9] =	sst s10  }
0x38: {  	s10 =	sld [smem:$0x3FBA]  }
0x39: {  	_ = 	snop;
	(pc) =	sbr.ind lr, $3  }
0x3a: {  	_ = 	snop  }
0x3b: {  	_ = 	snop  }
0x3c: {  	p2 =	seq.s32 s10, $0x1;
	s10 =	sld [smem:$0x3FB9]  }
0x3d: {  	_ =	shalt  }
0x3e: {  	_ =	shalt  }
0x3f: {  	_ =	shalt  }
0x40: {  	_ =	shalt  }
0x41: {  	_ =	shalt  }
0x42: {  	_ =	shalt  }
0x43: {  	_ =	shalt  }
0x44: {  	_ =	shalt  }
0x45: {  	_ =	shalt  }
0x46: {  	_ =	shalt  }
0x47: {  	_ =	shalt  }
0x48: {  	_ =	shalt  }
0x49: {  	_ =	shalt  }
0x4a: {  	_ =	shalt  }
0x4b: {  	_ =	shalt  }
0x4c: {  	_ =	shalt  }
0x4d: {  	_ =	shalt  }
0x4e: {  	_ =	shalt  }
0x4f: {  	_ =	shalt  }
0x50: {  	_ =	shalt  }
0x51: {  	_ =	shalt  }
0x52: {  	_ =	shalt  }
0x53: {  	_ =	shalt  }
0x54: {  	_ =	shalt  }
0x55: {  	_ =	shalt  }
0x56: {  	_ =	shalt  }
0x57: {  	_ =	shalt  }
0x58: {  	_ =	shalt  }
0x59: {  	_ =	shalt  }
0x5a: {  	_ =	shalt  }
0x5b: {  	_ =	shalt  }
0x5c: {  	_ =	shalt  }
0x5d: {  	_ =	shalt  }
0x5e: {  	_ =	shalt  }
0x5f: {  	_ =	shalt  }
0x60: {  	_ =	shalt  }
0x61: {  	_ =	shalt  }
0x62: {  	_ =	shalt  }
0x63: {  	_ =	shalt  }
0x64: {  	_ =	shalt  }
0x65: {  	_ =	shalt  }
0x66: {  	_ =	shalt  }
0x67: {  	_ =	shalt  }
0x68: {  	_ =	shalt  }
0x69: {  	_ =	shalt  }
0x6a: {  	_ =	shalt  }
0x6b: {  	_ =	shalt  }
0x6c: {  	_ =	shalt  }
0x6d: {  	_ =	shalt  }
0x6e: {  	_ =	shalt  }
0x6f: {  	_ =	shalt  }
0x70: {  	_ =	shalt  }
0x71: {  	_ =	shalt  }
0x72: {  	_ =	shalt  }
0x73: {  	_ =	shalt  }
0x74: {  	_ =	shalt  }
0x75: {  	_ =	shalt  }
0x76: {  	_ =	shalt  }
0x77: {  	_ =	shalt  }
0x78: {  	_ =	shalt  }
0x79: {  	_ =	shalt  }
0x7a: {  	_ =	shalt  }
0x7b: {  	_ =	shalt  }
0x7c: {  	_ =	shalt  }
0x7d: {  	_ =	shalt  }
0x7e: {  	_ =	shalt  }
0x7f: {  	_ =	shalt  }
0x80: {  	_ =	shalt  }
0x81: {  	_ =	shalt  }
0x82: {  	_ =	shalt  }
0x83: {  	_ =	shalt  }
0x84: {  	_ =	shalt  }
0x85: {  	_ =	shalt  }
0x86: {  	_ =	shalt  }
0x87: {  	_ =	shalt  }
.Lfunc_end0:
.L_simem_size_0:
called_computation_lowered:
.L_overlay_start_0:
0x88: {  	s2 =	sld [smem:$0x3FD9]  }
0x89: {  	s3 =	sld [smem:$0x3FFE];
	_ =	sdelay $0x1  }
0x8a: {  	s1 =	srdreg.scid  }
0x8b: {  	s0 =	sand.u32 $0x1, s1  }
0x8c: {  	s17 =	sshll.u32 s0, $0xA;
	s2 =	sadd.s32 s3, s2  }
0x8d: {  	s2 =	sadd.s32 s2, s17  }
0x8e: {  	[smem:$0x3FC5] =	sst s2  }
0x8f: {  	_ = 	snop  }
0x90: {  	s2 =	sld [smem:$0x3FC8]  }
0x91: {  	s18 =	sld [smem:$0x3FC7]  }
0x92: {  	s4 =	sld [smem:$0x3FD0];
	(tm) =	ssettm $0x1  }
0x93: {  	s5 =	sld [smem:$0x3FFB];
	_ =	sdelay $0x3  }
0x94: {  	_ =	strace s5  }
0x95: {  	s5 =	sld [smem:$0x3FFC];
	_ =	sdelay $0x3  }
0x96: {  	_ =	strace s5  }
0x97: {  	s5 =	sld [smem:$0x3FFD];
	_ =	sdelay $0x3  }
0x98: {  	_ =	strace s5  }
0x99: {  	_ =	strace $0x8FFFFFFF  }
0x9a: {  	s19 =	sld [smem:$0x3FDB];
	_ =	sdelay $0x1  }
0x9b: {  	s6 =	simm.s32 $_scs_section_size  }
0x9c: {  	s7 =	simm.s32 $_size__tile_overlayer_lowered;
	s8 =	simm.s32 $_tile_overlayer_lowered  }
0x9d: {  	s22 =	simm.s32 $0x1BFF;
	s21 =	sshll.u32 s8, $0x1;
	s5 =	sadd.s32 s6, s19  }
0x9e: {  	s9 =	simm.s32 $0x0;
	s20 =	sshll.u32 s7, $0x1;
	s7 =	sadd.s32 s21, s5  }
0x9f: {  	[timem:s9], [sflag:s22] =	dma.local [hbm:s7], s20  }
0xa0: {  	_ =	swait.ge [sflag:s22], s20  }
0xa1: {  	s6 =	ssub.s32 $0x0, s20;
	[sflag:s22] =	ssyncset.done $0x0  }
0xa2: {  	[sflag:s22] =	ssyncadd.s32 s6;
	_ =	sdelay $0x1  }
0xa3: {  	s23 =	simm.s32 $0x1B8B  }
0xa4: {  	_ =	swait.ge [sflag:s23], $0x1  }
0xa5: {  	[sflag:s23] =	ssyncset.done $0x0  }
0xa6: {  	s25 =	simm.s32 $0x1B8E;
	s24 =	sld [smem:$0x3FFE];
	[sflag:s23] =	ssyncadd.s32 $0xFFFFFFFF  }
0xa7: {  	s26 =	simm.s32 $execute0_lowered;
	[smem:$0x3FD2] =	sst s25  }
0xa8: {  	s7 =	sshll.u32 s26, $0x1;
	_ =	strace $0x80000046;
	[dreg:$0x1] =	wrdreg $0xFFFFFFFF  }
0xa9: {  	s28 =	simm.s32 $_size_execute0_lowered;
	s5 =	sadd.s32 s5, s7;
	[dreg:$0x0] =	wrdreg $0x0  }
0xaa: {  	s7 =	sshll.u32 s28, $0x1;
	[dreg:$0x2] =	wrdreg s5  }
0xab: {  	[dreg:$0x3] =	wrdreg s7  }
0xac: {  	[dreg:$0x4] =	wrdreg $0xC0  }
0xad: {  	_ =	task [dreg:s9], $0x5FFFF  }
0xae: {  	[dreg:$0x1] =	wrdreg $0xFFFFFFFF  }
0xaf: {  	[dreg:$0x0] =	wrdreg $0x60  }
0xb0: {  	[dreg:$0x2] =	wrdreg s24  }
0xb1: {  	[dreg:$0x3] =	wrdreg s2  }
0xb2: {  	[dreg:$0x4] =	wrdreg s18  }
0xb3: {  	[dreg:$0x5] =	wrdreg s4  }
0xb4: {  	[dreg:$0x6] =	wrdreg $0x9  }
0xb5: {  	_ =	task.clear_ibuf [dreg:s9], $0x7FFFF;
	_ =	strace $0x90000046  }
0xb6: {  	s29 =	simm.s32 $0x9;
	_ =	strace $0x80000048  }
0xb7: {  	_ =	swait.ge [sflag:s29], $0x1  }
0xb8: {  	[sflag:s29] =	ssyncadd.s32 $0xFFFFFFFF  }
0xb9: {  	_ =	strace $0x90000048  }
0xba: {  	_ =	sfence  }
0xbb: {  	s30 =	sld [smem:$0x0];
	_ =	sdelay $0x2  }
0xbc: {  	s31 =	sshll.u32 s1, $0xD;
	s1 =	sshrl.u32 s1, $0x2  }
0xbd: {  	s3 =	sand.u32 $0x4000, s31;
	s1 =	sadd.s32 s1, s30  }
0xbe: {  	s0 =	sor.u32 s3, s0;
	s1 =	sshll.u32 s1, $0x11  }
0xbf: {  	s0 =	sor.u32 s1, s0  }
0xc0: {  	s0 =	sadd.s32 $0x8F2B, s0  }
0xc1: {  	[sflag:s0] =	ssyncadd.remote.s32 $0x1  }
0xc2: {  	_ =	sfence.sel $0xFFFF  }
0xc3: {  	[dreg:$0x0] =	wrdreg $0xFFFFFFFF;
	(pc) =	sbr.abs _section_cstart, $3  }
0xc4: {  	[dreg:$0x1] =	wrdreg $0xFFFFFFFF  }
0xc5: {  	_ =	task.clear_ibuf [dreg:s9], $0x2FFFF;
	_ =	strace $0x9FFFFFFF  }
0xc6: {  	(tm) =	ssettm $0x7FFFFFFF  }
0xc7: {  	_ =	shalt  }
tec
execute0_lowered:
.L_overlay_start_1:
0x0: {  	(tag) =	ssettag $0x1  }
0x1: {  	s0 =	rddreg [dreg:$0x0]  }
0x2: {  	s1 =	rddreg [dreg:$0x3];
	s28 =	srdreg.scid  }
0x3: {  	s2 =	stileid.u32;
	s5 =	simm.s32 $0x0;
	s12 =	simm.s32 $0x1  }
0x4: {  	[dreg:$0x5] =	wrdreg s1;
	s1 =	sand.u32 $0x1, s28;
	s4 =	sshll.u32 s2, $0x1  }
0x5: {  	vm4 =	vcmask $0xB10;
	vm5 =	vcmask $0x70C;
	vm6 =	vcmask $0x308;
	[smem:$0x7FF] =	sst s5;
	s29 =	ssub.s32 $0x2, s1;
	s1 =	sor.u32 s1, s4  }
.Ltmp0:
0x6: {  	vm7 =	vmmov $0x1;
	vm8 =	vcmask $0x1F1C;
	vm9 =	vcmask $0x1B18;
	s0 =	sadd.s32 $0x400, s0;
	s1 =	sshll.u32 s1, $0x7;
	(pc) =	sbr.rel .LBB2_1-.Ltmp0, $4  }
0x7: {  	vm10 =	vcmask $0x1714;
	vm11 =	vcmask $0x1310;
	vm12 =	vcmask $0xF0C;
	_ =	strace $0x80000047;
	s3 =	sshrl.u32 s29, $0x1;
	s6 =	sand.u32 $0x380, s1  }
0x8: {  	vm13 =	vcmask $0xB08;
	v0 =	vimm.s32 $0x0;
	vm0 =	vcmask $0xF00;
	[dreg:$0xe] =	wrdreg s0;
	s2 =	ssub.s32 s29, s3;
	s30 =	sor.u32 $0x180000, s6  }
0x9: {  	vm14 =	vcmask $0x704;
	v3 =	vlaneseq.u32;
	vm15 =	vmmov $0xff;
	s13 =	simm.s32 $0x2;
	s31 =	smax.u32 s2, $0x1;
	[dreg:$0xf] =	wrdreg s30  }
0xa: {  	s14 =	simm.s32 $0x1080;
	s9 =	simm.s32 $0x0;
	v1 =	vsel vm0, $0x1, v0;
	v2 =	vshrl.u32 v3, $0x2;
	v3 =	vor.u32 $0x80000000, v3;
	[dreg:$0x10] =	wrdreg s31  }
.LBB2_30:
0xb: {  	[sflag:s13] =	ssyncadd.s32 $0xFFFFF800  }
.LBB2_31:
0xc: {  	s9 =	sadd.s32 $0x1, s9;
	s0 =	rddreg [dreg:$0x10]  }
0xd: {  	p0 =	sne.s32 s9, s0  }
.Ltmp1:
0xe: {  	_ = 	snop;
	(pc) =	sbr.rel @!p0 .LBB2_32-.Ltmp1, $1  }
0xf: {  	_ =	sdelay $0x3  }
.LBB2_1:
0x10: {  	s0 =	rddreg [dreg:$0x1];
	s1 =	simm.s32 $0x3  }
0x11: {  	[tilespmem:s5], [sflag:$0x3] =	stream.linear.gather [hbm4b:s0+s5], $0x1000, $0x38;
	[tilespmem:$0x1A080] =	vst v63  }
0x12: {  	_ =	swait.ge [sflag:s1], $0x1000  }
0x13: {  	[sflag:s1] =	ssyncset.done $0x0  }
0x14: {  	s2 =	simm.s32 $0x1000;
	s11 =	rddreg [dreg:$0xe];
	[sflag:s1] =	ssyncadd.s32 $0xFFFFF000  }
0x15: {  	[tilespmem:s2], [sflag:$0x3] =	stream.linear.gather [hbm4b:s11+s5], $0x80, $0x38;
	[tilespmem:$0x1A080] =	vst v63  }
0x16: {  	_ =	swait.ge [sflag:s1], $0x80  }
0x17: {  	[sflag:s1] =	ssyncset.done $0x0  }
0x18: {  	[sflag:s1] =	ssyncadd.s32 $0xFFFFFF80  }
0x19: {  	v4 =	vld [tilespmem:$0x1000];
	_ =	sdelay $0x3  }
0x1a: {  	vm0 =	vcmask $0x1B20  }
0x1b: {  	v5 =	vsel vm0, $0xFFFFFFFF, v4;
	vm0 =	vcmask $0x171C  }
0x1c: {  	v5 =	vxor.u32 $0x80000000, v5;
	v6 =	vsel vm0, $0xFFFFFFFF, v4  }
0x1d: {  	vm0 =	vcmask $0x1318;
	(xrf0) =	vmax.scan.msk.u32 $0xffff, v5;
	v5 =	vxor.u32 $0x80000000, v6  }
0x1e: {  	(xrf0) =	vmax.scan.msk.u32 $0xffff, v5;
	v5 =	vsel vm0, $0xFFFFFFFF, v4  }
0x1f: {  	vm0 =	vcmask $0xF14;
	v5 =	vxor.u32 $0x80000000, v5  }
0x20: {  	(xrf0) =	vmax.scan.msk.u32 $0xffff, v5;
	v5 =	vsel vm0, $0xFFFFFFFF, v4  }
0x21: {  	v5 =	vxor.u32 $0x80000000, v5  }
0x22: {  	(xrf0) =	vmax.scan.msk.u32 $0xffff, v5;
	v5 =	vsel vm4, $0xFFFFFFFF, v4  }
0x23: {  	v6, _, _ =	vpop (xrf0);
	v5 =	vxor.u32 $0x80000000, v5  }
0x24: {  	(v2sf) =	vpush v6, $0xF;
	v6, _, _ =	vpop (xrf0);
	(xrf0) =	vmax.scan.msk.u32 $0xffff, v5;
	v5 =	vsel vm5, $0xFFFFFFFF, v4  }
0x25: {  	(v2sf) =	vpush v6, $0xF;
	v5 =	vxor.u32 $0x80000000, v5  }
0x26: {  	v6, _, _ =	vpop (xrf0);
	(xrf0) =	vmax.scan.msk.u32 $0xffff, v5;
	v5 =	vsel vm6, $0xFFFFFFFF, v4  }
0x27: {  	(v2sf) =	vpush v6, $0xF;
	v5 =	vxor.u32 $0x80000000, v5  }
0x28: {  	v6, _, _ =	vpop (xrf0);
	(xrf0) =	vmax.scan.msk.u32 $0xffff, v5;
	v5 =	vnsel vm7, $0xFFFFFFFF, v4  }
0x29: {  	(v2sf) =	vpush v6, $0xF;
	v5 =	vxor.u32 $0x80000000, v5  }
0x2a: {  	v6, _, _ =	vpop (xrf0);
	(xrf0) =	vmax.scan.msk.u32 $0xffff, v5  }
0x2b: {  	(v2sf) =	vpush v6, $0xF  }
0x2c: {  	v5, _, _ =	vpop (xrf0)  }
0x2d: {  	(v2sf) =	vpush v5, $0xF  }
0x2e: {  	v5, _, _ =	vpop (xrf0)  }
0x2f: {  	(v2sf) =	vpush v5, $0xF  }
0x30: {  	v5, _, _ =	vpop (xrf0)  }
0x31: {  	(v2sf) =	vpush v5, $0xF;
	_ =	sdelay $0x1  }
0x32: {  	s15 =	spop (v2sf)  }
0x33: {  	s16 =	spop (v2sf)  }
0x34: {  	s0 =	sxor.u32 $0x80000000, s15;
	s1 =	sxor.u32 $0x80000000, s16  }
0x35: {  	vm0 =	vne.s32 v4, s0;
	s17 =	spop (v2sf);
	vm1 =	veq.s32 v4, s1  }
0x36: {  	vm0 =	vmor vm0, vm8;
	s18 =	sxor.u32 $0x80000000, s17;
	vm2 =	vmneg vm1  }
0x37: {  	vm1 =	vmand vm1, vm9;
	s19 =	spop (v2sf);
	vm0 =	vmand vm2, vm0;
	vm2 =	veq.s32 v4, s18  }
0x38: {  	s20 =	sxor.u32 $0x80000000, s19;
	vm0 =	vmor vm1, vm0;
	vm1 =	vmneg vm2  }
0x39: {  	vm2 =	vmand vm2, vm10;
	s21 =	spop (v2sf);
	vm0 =	vmand vm1, vm0;
	vm1 =	veq.s32 v4, s20  }
0x3a: {  	s22 =	sxor.u32 $0x80000000, s21;
	vm0 =	vmor vm2, vm0;
	vm2 =	vmneg vm1  }
0x3b: {  	vm1 =	vmand vm1, vm11;
	s23 =	spop (v2sf);
	vm0 =	vmand vm2, vm0;
	vm2 =	veq.s32 v4, s22  }
0x3c: {  	s24 =	sxor.u32 $0x80000000, s23;
	vm0 =	vmor vm1, vm0;
	vm1 =	vmneg vm2  }
0x3d: {  	vm2 =	vmand vm2, vm12;
	s25 =	spop (v2sf);
	vm0 =	vmand vm1, vm0;
	vm1 =	veq.s32 v4, s24  }
0x3e: {  	s26 =	sxor.u32 $0x80000000, s25;
	vm0 =	vmor vm2, vm0;
	vm2 =	vmneg vm1  }
0x3f: {  	vm1 =	vmand vm1, vm13;
	vm0 =	vmand vm2, vm0;
	vm2 =	veq.s32 v4, s26;
	s28 =	spop (v2sf)  }
0x40: {  	s0 =	sxor.u32 $0x80000000, s28;
	vm0 =	vmor vm1, vm0;
	vm1 =	vmneg vm2  }
0x41: {  	vm2 =	vmand vm2, vm14;
	vm0 =	vmand vm1, vm0;
	vm1 =	veq.s32 v4, s0  }
0x42: {  	vm0 =	vmor vm2, vm0;
	vm2 =	vmneg vm1  }
0x43: {  	vm1 =	vmand vm1, vm7;
	vm0 =	vmand vm2, vm0  }
0x44: {  	vm0 =	vmor vm1, vm0  }
0x45: {  	vm0 =	vmand vm0, vm15  }
0x46: {  	v5 =	vsel vm0, $0x1, v0  }
0x47: {  	(xrf0) =	vadd.scan.msk.s32 $0xffff, v5;
	_ =	sdelay $0x5  }
0x48: {  	v7, _, _ =	vpop (xrf0)  }
0x49: {  	v5 =	vadd.s32 $0xFFFFFFFF, v7  }
0x4a: {  	vm1 =	veq.s32 v5, $0x0  }
0x4b: {  	v6 =	vxor.u32 $0x80000000, v4;
	vm1 =	vmand vm0, vm1  }
0x4c: {  	v8 =	vnsel vm1, $0x7FFFFFFF, v6  }
0x4d: {  	(xrf0) =	vmax.scan.msk.u32 $0xffff, v8;
	_ =	sdelay $0x5  }
0x4e: {  	v8, _, _ =	vpop (xrf0)  }
0x4f: {  	(v2sf) =	vpush v8, $0xF;
	_ =	sdelay $0xe  }
0x50: {  	s29 =	spop (v2sf)  }
0x51: {  	s0 =	sshll.u32 s29, $0x6  }
0x52: {  	s0 =	sor.u32 s4, s0  }
0x53: {  	s0 =	sshrl.u32 s0, $0x3  }
0x54: {  	s0 =	smul.u32 $0x60000, s0;
	_ =	sdelay $0x1  }
0x55: {  	s30 =	sor.u32 s6, s0  }
0x56: {  	s31 =	rddreg [dreg:$0x2];
	s1 =	sshrl.u32 s30, $0x3  }
0x57: {  	s3 =	simm.s32 $0x1180;
	s1 =	sadd.s32 s31, s1  }
0x58: {  	s7 =	simm.s32 $0x1080;
	s2 =	simm.s32 $0x80;
	s8 =	sadd.s32 $0x0, s1  }
.LBB2_2:
0x59: {  	[tilespmem:s7], [sflag:$0x1] =	stream.linear.gather [hbm4b:s8+s5], $0x80, $0x38;
	[tilespmem:$0x1A080] =	vst v63  }
0x5a: {  	s8 =	smov.u32 s2;
	s7 =	smov.u32 s3;
	p0 =	sne.s32 s2, $0xBF80  }
.Ltmp2:
0x5b: {  	s2 =	sadd.s32 $0x80, s2;
	(pc) =	sbr.rel @p0 .LBB2_2-.Ltmp2, $2  }
0x5c: {  	_ =	sdelay $0x2  }
0x5d: {  	s3 =	sadd.s32 $0x100, s3;
	s8 =	sadd.s32 s8, s1  }
0x5e: {  	[tilespmem:s7], [sflag:$0x1] =	stream.linear.gather [hbm4b:s8+s5], $0x80, $0x38;
	[tilespmem:$0x1A080] =	vst v63  }
0x5f: {  	s1 =	rddreg [dreg:$0xf]  }
0x60: {  	s0 =	sadd.s32 s1, s0  }
0x61: {  	s31 =	rddreg [dreg:$0x2];
	s0 =	sshrl.u32 s0, $0x3  }
0x62: {  	s2 =	simm.s32 $0x80;
	s0 =	sadd.s32 s31, s0  }
0x63: {  	s3 =	simm.s32 $0x1200;
	s1 =	simm.s32 $0x1100;
	s7 =	sadd.s32 $0x0, s0  }
.LBB2_4:
0x64: {  	[tilespmem:s1], [sflag:$0x1] =	stream.linear.gather [hbm4b:s7+s5], $0x80, $0x38;
	[tilespmem:$0x1A080] =	vst v63  }
0x65: {  	s7 =	smov.u32 s2;
	s1 =	smov.u32 s3;
	p0 =	seq.s32 s2, $0xBF80  }
.Ltmp3:
0x66: {  	s2 =	sadd.s32 $0x80, s2;
	(pc) =	sbr.rel @!p0 .LBB2_4-.Ltmp3, $2  }
0x67: {  	_ =	sdelay $0x2  }
0x68: {  	s3 =	sadd.s32 $0x100, s3;
	s7 =	sadd.s32 s7, s0  }
0x69: {  	v7 =	vadd.s32 $0x7FFFFFFF, v7  }
0x6a: {  	(xrf0) =	vmax.scan.msk.u32 $0xffff, v7;
	_ =	sdelay $0x5  }
0x6b: {  	v7, _, _ =	vpop (xrf0)  }
0x6c: {  	(v2sf) =	vpush v7, $0xF;
	_ =	sdelay $0xe  }
0x6d: {  	s0 =	spop (v2sf)  }
0x6e: {  	s0 =	sshll.u32 s0, $0x6  }
0x6f: {  	s0 =	sadd.s32 $0x40, s0  }
0x70: {  	s16 =	sshra.s32 s0, $0x5  }
0x71: {  	p0 =	sgt.s32 s16, $0x0  }
.Ltmp4:
0x72: {  	_ = 	snop;
	(pc) =	sbr.rel @!p0 .LBB2_31-.Ltmp4, $2  }
0x73: {  	_ =	sdelay $0x2  }
0x74: {  	[tilespmem:s1], [sflag:$0x1] =	stream.linear.gather [hbm4b:s7+s5], $0x80, $0x38;
	[tilespmem:$0x1A080] =	vst v63  }
.Ltmp5:
0x75: {  	(pc) =	sbr.rel .LBB2_7-.Ltmp5, $3  }
0x76: {  	_ =	sdelay $0x1  }
0x77: {  	[dreg:$0x11] =	wrdreg s9;
	s17 =	simm.s32 $0x0;
	p0 =	por $0x0, $0x0  }
0x78: {  	s18 =	simm.s32 $0x0;
	s19 =	simm.s32 $0x0;
	s20 =	simm.s32 $0x0  }
.LBB2_26:
0x79: {  	s20 =	sadd.s32 $0x1, s20  }
0x7a: {  	p1 =	sne.s32 s20, s16  }
.Ltmp6:
0x7b: {  	_ = 	snop;
	(pc) =	sbr.rel @!p1 .LBB2_27-.Ltmp6, $2  }
0x7c: {  	_ =	sdelay $0x2  }
0x7d: {  	p0 =	por !p0, !p0  }
.LBB2_7:
0x7e: {  	s0 =	sshll.u32 s20, $0x5  }
0x7f: {  	s1 =	sshrl.u32 s0, $0x6  }
0x80: {  	vm1 =	veq.s32 v5, s1  }
0x81: {  	vm1 =	vmand vm0, vm1  }
0x82: {  	v7 =	vnsel vm1, $0x7FFFFFFF, v6  }
0x83: {  	(xrf0) =	vmax.scan.msk.u32 $0xffff, v7;
	_ =	sdelay $0x5  }
0x84: {  	v7, _, _ =	vpop (xrf0)  }
0x85: {  	(v2sf) =	vpush v7, $0xF;
	_ =	sdelay $0xe  }
0x86: {  	s31 =	spop (v2sf)  }
0x87: {  	s1 =	sxor.u32 $0x80000000, s31  }
0x88: {  	vm1 =	veq.s32 v4, s1  }
0x89: {  	_ =	swait.ge [sflag:s12], $0xC000;
	v7 =	vnsel vm1, $0x0, v1  }
0x8a: {  	v8 =	vsel vm1, $0x1, v0;
	(xrf0) =	vadd.scan.msk.s32 $0xffff, v7  }
0x8b: {  	(xrf0) =	vadd.scan.msk.s32 $0xffff, v8;
	_ =	sdelay $0x4  }
0x8c: {  	v7, _, _ =	vpop (xrf0)  }
0x8d: {  	(v2sf) =	vpush v7, $0xF;
	v7, _, _ =	vpop (xrf0)  }
0x8e: {  	(v2sf) =	vpush v7, $0xF;
	_ =	sdelay $0xd  }
0x8f: {  	s21 =	spop (v2sf)  }
0x90: {  	s2 =	spop (v2sf)  }
0x91: {  	s3 =	simm.s32 $0x1;
	s22 =	ssub.s32 s2, s21  }
0x92: {  	p1 =	sgt.s32 s21, $0x0;
	s2 =	simm.s32 $0x1;
	p2 =	sgt.s32 s22, $0x0  }
0x93: {  	s2 =	simm.s32 @!p1 $0x0;
	s3 =	simm.s32 @!p2 $0x0  }
0x94: {  	s23 =	sadd.s32 s2, s3  }
0x95: {  	p2 =	seq.s32 s23, $0x0  }
.Ltmp7:
0x96: {  	_ = 	snop;
	(pc) =	sbr.rel @p2 .LBB2_22-.Ltmp7, $3  }
0x97: {  	_ =	sdelay $0x1  }
0x98: {  	[sflag:s12] =	ssyncset.done $0x0  }
0x99: {  	[sflag:s12] =	ssyncadd.s32 $0xFFFF4000  }
.Ltmp8:
0x9a: {  	s0 =	sand.u32 $0x20, s0;
	s2 =	sand.u32 $0x1, s20;
	(pc) =	sbr.rel .LBB2_9-.Ltmp8, $4  }
0x9b: {  	s0 =	sor.u32 s4, s0;
	v7 =	vmov s2  }
0x9c: {  	s0 =	sshll.u32 s0, $0xB;
	v7 =	vshll.u32 v7, $0x7  }
0x9d: {  	v8 =	vmov s1;
	s0 =	sand.u32 $0x1C000, s0;
	v7 =	vbroadcast v7, $0x0  }
0x9e: {  	s24 =	simm.s32 $0x0;
	vm1 =	veq.s32 v4, v8;
	[dreg:$0x6] =	wrdreg s0  }
.LBB2_17:
0x9f: {  	_ = 	snop  }
.LBB2_20:
0xa0: {  	[hbm4b:s15+s5] =	stream.linear.scatter @p3 [tilespmem:s30], [sflag:$0x2], $0x80, $0x38;
	[tilespmem:$0x1A080] =	vst v63  }
0xa1: {  	s3 =	sor.u32 s3, s10  }
0xa2: {  	s9 =	sadd.s32 @p3 $0x700, s8;
	s3 =	sor.u32 s6, s3  }
0xa3: {  	[hbm4b:s9+s5] =	stream.linear.scatter @p3 [tilespmem:s31], [sflag:$0x2], $0x80, $0x38;
	[tilespmem:$0x1A080] =	vst v63  }
0xa4: {  	s15 =	rddreg [dreg:$0x5];
	s8 =	sadd.s32 @p3 $0x780, s8;
	s3 =	sshrl.u32 s3, $0x3  }
0xa5: {  	[hbm4b:s8+s5] =	stream.linear.scatter @p3 [tilespmem:s29], [sflag:$0x2], $0x80, $0x38;
	[tilespmem:$0x1A080] =	vst v63  }
0xa6: {  	s3 =	sadd.s32 s15, s3  }
0xa7: {  	[hbm4b:s3+s5] =	stream.linear.scatter [tilespmem:s28], [sflag:$0x2], $0x80, $0x38;
	[tilespmem:$0x1A080] =	vst v63  }
0xa8: {  	s10 =	rddreg [dreg:$0x7];
	s9 =	sadd.s32 $0x80, s3  }
0xa9: {  	[hbm4b:s9+s5] =	stream.linear.scatter [tilespmem:s10], [sflag:$0x2], $0x80, $0x38;
	[tilespmem:$0x1A080] =	vst v63  }
0xaa: {  	s15 =	rddreg [dreg:$0x8];
	s28 =	sadd.s32 $0x100, s3  }
0xab: {  	[hbm4b:s28+s5] =	stream.linear.scatter [tilespmem:s15], [sflag:$0x2], $0x80, $0x38;
	[tilespmem:$0x1A080] =	vst v63  }
0xac: {  	s9 =	rddreg [dreg:$0x9];
	s15 =	sadd.s32 $0x180, s3  }
0xad: {  	[hbm4b:s15+s5] =	stream.linear.scatter [tilespmem:s9], [sflag:$0x2], $0x80, $0x38;
	[tilespmem:$0x1A080] =	vst v63  }
0xae: {  	s28 =	rddreg [dreg:$0xa];
	s9 =	sadd.s32 $0x200, s3  }
0xaf: {  	[hbm4b:s9+s5] =	stream.linear.scatter [tilespmem:s28], [sflag:$0x2], $0x80, $0x38;
	[tilespmem:$0x1A080] =	vst v63  }
0xb0: {  	s15 =	rddreg [dreg:$0xb];
	s28 =	sadd.s32 $0x280, s3  }
0xb1: {  	[hbm4b:s28+s5] =	stream.linear.scatter [tilespmem:s15], [sflag:$0x2], $0x80, $0x38;
	[tilespmem:$0x1A080] =	vst v63  }
0xb2: {  	s10 =	rddreg [dreg:$0xc];
	s15 =	sadd.s32 $0x300, s3  }
0xb3: {  	[hbm4b:s15+s5] =	stream.linear.scatter [tilespmem:s10], [sflag:$0x2], $0x80, $0x38;
	[tilespmem:$0x1A080] =	vst v63  }
0xb4: {  	s28 =	rddreg [dreg:$0xd];
	s15 =	sadd.s32 $0x380, s3  }
0xb5: {  	[hbm4b:s15+s5] =	stream.linear.scatter [tilespmem:s28], [sflag:$0x2], $0x80, $0x38;
	[tilespmem:$0x1A080] =	vst v63  }
0xb6: {  	s28 =	sadd.s32 $0x400, s3  }
0xb7: {  	[hbm4b:s28+s5] =	stream.linear.scatter [tilespmem:s7], [sflag:$0x2], $0x80, $0x38;
	[tilespmem:$0x1A080] =	vst v63  }
0xb8: {  	s9 =	sadd.s32 $0x480, s3  }
0xb9: {  	[hbm4b:s9+s5] =	stream.linear.scatter [tilespmem:s11], [sflag:$0x2], $0x80, $0x38;
	[tilespmem:$0x1A080] =	vst v63  }
0xba: {  	s10 =	sadd.s32 $0x500, s3  }
0xbb: {  	[hbm4b:s10+s5] =	stream.linear.scatter [tilespmem:s0], [sflag:$0x2], $0x80, $0x38;
	[tilespmem:$0x1A080] =	vst v63  }
0xbc: {  	s11 =	sadd.s32 $0x580, s3  }
0xbd: {  	[hbm4b:s11+s5] =	stream.linear.scatter [tilespmem:s2], [sflag:$0x2], $0x80, $0x38;
	[tilespmem:$0x1A080] =	vst v63  }
0xbe: {  	s15 =	sadd.s32 $0x600, s3  }
0xbf: {  	[hbm4b:s15+s5] =	stream.linear.scatter [tilespmem:s1], [sflag:$0x2], $0x80, $0x38;
	[tilespmem:$0x1A080] =	vst v63  }
0xc0: {  	s28 =	sadd.s32 $0x680, s3  }
0xc1: {  	[hbm4b:s28+s5] =	stream.linear.scatter [tilespmem:s30], [sflag:$0x2], $0x80, $0x38;
	[tilespmem:$0x1A080] =	vst v63  }
0xc2: {  	s30 =	sadd.s32 $0x700, s3  }
0xc3: {  	[hbm4b:s30+s5] =	stream.linear.scatter [tilespmem:s31], [sflag:$0x2], $0x80, $0x38;
	[tilespmem:$0x1A080] =	vst v63  }
0xc4: {  	s31 =	sadd.s32 $0x780, s3  }
0xc5: {  	[hbm4b:s31+s5] =	stream.linear.scatter [tilespmem:s29], [sflag:$0x2], $0x80, $0x38;
	[tilespmem:$0x1A080] =	vst v63  }
.LBB2_21:
0xc6: {  	s24 =	sadd.s32 $0x1, s24  }
0xc7: {  	p4 =	sne.s32 s24, s23  }
.Ltmp9:
0xc8: {  	_ = 	snop;
	(pc) =	sbr.rel @!p4 .LBB2_22-.Ltmp9, $3  }
0xc9: {  	_ =	sdelay $0x1  }
0xca: {  	p3 =	seq.s32 s25, $0x1  }
0xcb: {  	s18 =	smov.u32 @p2 s26;
	s19 =	sadd.s32 $0x1, s19;
	s17 =	smov.u32 @p3 s26  }
.LBB2_9:
0xcc: {  	s0 =	sshrl.u32 s19, $0x1F  }
0xcd: {  	s0 =	sadd.s32 s0, s19  }
0xce: {  	s0 =	sand.u32 $0xFFFFFFFE, s0  }
0xcf: {  	s25 =	ssub.s32 s19, s0  }
0xd0: {  	s0 =	smov.u32 s17;
	p2 =	seq.s32 s25, $0x0  }
0xd1: {  	s0 =	smov.u32 @p2 s18  }
0xd2: {  	p3 =	slt.s32 s0, $0x1  }
.Ltmp10:
0xd3: {  	_ = 	snop;
	(pc) =	sbr.rel @p3 .LBB2_13-.Ltmp10, $1  }
0xd4: {  	_ =	sdelay $0x3  }
0xd5: {  	p3 =	sne.s32 s0, $0x1  }
.Ltmp11:
0xd6: {  	_ = 	snop;
	(pc) =	sbr.rel @!p3 .LBB2_12-.Ltmp11, $3  }
0xd7: {  	_ =	sdelay $0x1  }
0xd8: {  	_ =	swait.ge [sflag:s13], $0x800  }
0xd9: {  	s0 =	sadd.s32 $0xFFFFFFFF, s0;
	[sflag:s13] =	ssyncset.done $0x0  }
.LBB2_11:
0xda: {  	p3 =	sne.s32 s0, $0x1;
	s0 =	sadd.s32 $0xFFFFFFFF, s0;
	[sflag:s13] =	ssyncadd.s32 $0xFFFFF800  }
.Ltmp12:
0xdb: {  	(pc) =	sbr.rel @p3 .LBB2_11-.Ltmp12, $3  }
0xdc: {  	_ =	sdelay $0x1  }
0xdd: {  	_ =	swait.ge [sflag:s13], $0x800  }
0xde: {  	[sflag:s13] =	ssyncset.done $0x0  }
.LBB2_12:
0xdf: {  	[sflag:s13] =	ssyncadd.s32 $0xFFFFF800  }
.LBB2_13:
0xe0: {  	p3 =	seq.s32 s24, $0x0;
	s0 =	sshll.u32 s25, $0x2;
	s1 =	sand.u32 $0x1, s25  }
0xe1: {  	p4 =	por !p1, !p3;
	s0 =	sand.u32 $0xFFFFC000, s0;
	s1 =	sshll.u32 s1, $0x9  }
0xe2: {  	p3 =	por !p4, !p4;
	s1 =	sor.u32 s1, s0;
	s0 =	simm.s32 $0x100  }
0xe3: {  	s0 =	simm.s32 @!p3 $0x180  }
0xe4: {  	v8 =	vld [tilespmem:s0+$0x70]  }
0xe5: {  	v9 =	vld [tilespmem:s0+$0xFFFFFF10]  }
0xe6: {  	v10 =	vld [tilespmem:s0+$0xFFFFFF20]  }
0xe7: {  	v12 =	vld [tilespmem:s0+$0xFFFFFF40]  }
0xe8: {  	v13 =	vld [tilespmem:s0+$0xFFFFFF50]  }
0xe9: {  	v16 =	vld [tilespmem:s0+$0xFFFFFF60]  }
0xea: {  	v18 =	vld [tilespmem:s0+$0xFFFFFF70]  }
0xeb: {  	v19 =	vld [tilespmem:s0+$0x0]  }
0xec: {  	v20 =	vld [tilespmem:s0+$0x10]  }
0xed: {  	v23 =	vld [tilespmem:s0+$0x20]  }
0xee: {  	v24 =	vld [tilespmem:s0+$0x30];
	v14 =	vshll.u32 v8, $0x1;
	v15 =	vshll.u32 v9, $0x1;
	v8 =	vand.u32 $0x7F, v8  }
0xef: {  	v27 =	vld [tilespmem:s0+$0x40];
	v17 =	vshll.u32 v10, $0x1;
	v9 =	vand.u32 $0x7F, v9;
	v21 =	vshll.u32 v12, $0x1  }
0xf0: {  	v30 =	vld [tilespmem:s0+$0x50];
	v10 =	vand.u32 $0x7F, v10;
	v22 =	vshll.u32 v13, $0x1;
	v25 =	vshll.u32 v16, $0x1  }
0xf1: {  	v31 =	vld [tilespmem:s0+$0x60];
	v12 =	vand.u32 $0x7F, v12;
	v26 =	vshll.u32 v18, $0x1;
	v13 =	vand.u32 $0x7F, v13  }
0xf2: {  	v33 =	vld [tilespmem:s0+$0xFFFFFF00];
	v28 =	vshll.u32 v19, $0x1;
	v16 =	vand.u32 $0x7F, v16;
	v29 =	vshll.u32 v20, $0x1  }
0xf3: {  	v18 =	vand.u32 $0x7F, v18;
	v32 =	vshll.u32 v23, $0x1;
	v19 =	vand.u32 $0x7F, v19  }
0xf4: {  	v34 =	vshll.u32 v24, $0x1;
	v20 =	vand.u32 $0x7F, v20;
	v35 =	vshll.u32 v27, $0x1  }
0xf5: {  	v23 =	vand.u32 $0x7F, v23;
	v24 =	vand.u32 $0x7F, v24;
	v27 =	vand.u32 $0x7F, v27  }
0xf6: {  	s15 =	sadd.s32 $0x200, s0;
	v36 =	vshll.u32 v30, $0x1;
	v30 =	vand.u32 $0x7F, v30;
	v37 =	vand.u32 $0x7F, v31  }
0xf7: {  	v48 =	vld [tilespmem:s15+$0x60];
	v31 =	vshll.u32 v31, $0x1;
	v38 =	vand.u32 $0x7F, v33;
	v33 =	vshll.u32 v33, $0x1  }
0xf8: {  	v11 =	vld [tilespmem:s0+$0xFFFFFF30];
	v14 =	vand.u32 $0xFFFFFF00, v14;
	v15 =	vand.u32 $0xFFFFFF00, v15;
	v21 =	vand.u32 $0xFFFFFF00, v21  }
0xf9: {  	v22 =	vand.u32 $0xFFFFFF00, v22;
	v25 =	vand.u32 $0xFFFFFF00, v25;
	v26 =	vand.u32 $0xFFFFFF00, v26  }
0xfa: {  	v28 =	vand.u32 $0xFFFFFF00, v28;
	v29 =	vand.u32 $0xFFFFFF00, v29;
	v32 =	vand.u32 $0xFFFFFF00, v32  }
0xfb: {  	v34 =	vand.u32 $0xFFFFFF00, v34;
	v35 =	vand.u32 $0xFFFFFF00, v35;
	v36 =	vand.u32 $0xFFFFFF00, v36  }
0xfc: {  	v31 =	vand.u32 $0xFFFFFF00, v31;
	v33 =	vand.u32 $0xFFFFFF00, v33;
	v56 =	vand.u32 $0x7F, v48  }
0xfd: {  	v8 =	vor.u32 v14, v8;
	v14 =	vand.u32 $0xFFFFFF00, v17;
	v17 =	vshll.u32 v11, $0x1  }
0xfe: {  	v11 =	vand.u32 $0x7F, v11;
	v9 =	vor.u32 v15, v9;
	v12 =	vor.u32 v21, v12  }
0xff: {  	v13 =	vor.u32 v22, v13;
	v15 =	vor.u32 v25, v16;
	v16 =	vor.u32 v26, v18  }
0x100: {  	v18 =	vor.u32 v29, v20;
	v20 =	vor.u32 v34, v24;
	v21 =	vor.u32 v35, v27  }
0x101: {  	v43 =	vld [tilespmem:s15+$0x40];
	v22 =	vor.u32 v36, v30;
	v24 =	vor.u32 v31, v37;
	v8 =	vor.u32 v7, v8  }
0x102: {  	v25 =	vld [tilespmem:s15+$0xFFFFFF10];
	v17 =	vand.u32 $0xFFFFFF00, v17;
	v10 =	vor.u32 v14, v10;
	v14 =	vor.u32 v33, v38  }
0x103: {  	v26 =	vld [tilespmem:s15+$0xFFFFFF20];
	v9 =	vor.u32 v7, v9;
	v12 =	vor.u32 v7, v12;
	v13 =	vor.u32 v7, v13  }
0x104: {  	v27 =	vld [tilespmem:s15+$0xFFFFFF30];
	v15 =	vor.u32 v7, v15;
	v16 =	vor.u32 v7, v16;
	v18 =	vor.u32 v7, v18  }
0x105: {  	v11 =	vor.u32 v17, v11;
	v17 =	vor.u32 v28, v19;
	v19 =	vor.u32 v32, v23;
	v23 =	vld [tilespmem:s15+$0x70]  }
0x106: {  	v49 =	vld [tilespmem:s15+$0xFFFFFF00];
	v34 =	vor.u32 v7, v20;
	v35 =	vor.u32 v7, v21;
	v36 =	vor.u32 v7, v22  }
0x107: {  	v37 =	vor.u32 v7, v24;
	v14 =	vor.u32 v7, v14;
	v10 =	vor.u32 v7, v10;
	v28 =	vld [tilespmem:s15+$0xFFFFFF60]  }
0x108: {  	v20 =	vld [tilespmem:s15+$0xFFFFFF40];
	v11 =	vor.u32 v7, v11;
	v17 =	vor.u32 v7, v17;
	v19 =	vor.u32 v7, v19  }
0x109: {  	v21 =	vld [tilespmem:s15+$0xFFFFFF50];
	v24 =	vshll.u32 v25, $0x1;
	v61 =	vand.u32 $0x7F, v25;
	v63 =	vand.u32 $0x7F, v26  }
0x10a: {  	v25 =	vld [tilespmem:s15+$0x10];
	v40 =	vand.u32 $0x7F, v27;
	v29 =	vand.u32 $0xFFFFFF00, v24;
	v22 =	vshll.u32 v23, $0x1  }
0x10b: {  	v30 =	vld [tilespmem:s15+$0xFFFFFF70];
	v24 =	vshll.u32 v26, $0x1;
	v23 =	vand.u32 $0x7F, v23;
	v22 =	vand.u32 $0xFFFFFF00, v22  }
0x10c: {  	v8 =	vld.idx.msk [tilespmem:v8+s14+$0x0], $0xffff;
	v31 =	vand.u32 $0xFFFFFF00, v24;
	v45 =	vand.u32 $0x7F, v28;
	v22 =	vor.u32 v22, v23  }
0x10d: {  	v24 =	vld [tilespmem:s15+$0x0];
	v57 =	vor.u32 v31, v63;
	v23 =	vshll.u32 v27, $0x1;
	v22 =	vor.u32 v7, v22  }
0x10e: {  	v27 =	vld [tilespmem:s15+$0x30];
	v62 =	vand.u32 $0xFFFFFF00, v23;
	v23 =	vshll.u32 v20, $0x1;
	v20 =	vand.u32 $0x7F, v20  }
0x10f: {  	s1 =	sshra.s32 s1, $0x2;
	v52 =	vand.u32 $0x7F, v25;
	v39 =	vand.u32 $0xFFFFFF00, v23;
	v23 =	vshll.u32 v21, $0x1  }
0x110: {  	s30 =	sadd.s32 $0x19180, s1;
	v26 =	vld [tilespmem:s15+$0x20];
	v21 =	vand.u32 $0x7F, v21;
	v41 =	vand.u32 $0xFFFFFF00, v23;
	v23 =	vshll.u32 v28, $0x1  }
0x111: {  	v32 =	vld.idx.msk [tilespmem:v18+s14+$0x0], $0xffff;
	[tilespmem:s30+$0x70] =	vst v8;
	v8 =	vand.u32 $0x7F, v49;
	v42 =	vand.u32 $0xFFFFFF00, v23;
	v23 =	vshll.u32 v30, $0x1  }
0x112: {  	v34 =	vld.idx.msk [tilespmem:v34+s14+$0x0], $0xffff;
	v50 =	vand.u32 $0x7F, v24;
	v30 =	vand.u32 $0x7F, v30;
	v44 =	vand.u32 $0xFFFFFF00, v23  }
0x113: {  	v28 =	vld [tilespmem:s15+$0x50];
	v23 =	vshll.u32 v24, $0x1;
	v24 =	vshll.u32 v43, $0x1;
	v54 =	vand.u32 $0x7F, v27  }
0x114: {  	v35 =	vld.idx.msk [tilespmem:v35+s14+$0x0], $0xffff;
	v58 =	vor.u32 v42, v45;
	v46 =	vand.u32 $0xFFFFFF00, v23;
	v23 =	vshll.u32 v25, $0x1  }
0x115: {  	v55 =	vand.u32 $0xFFFFFF00, v24;
	v24 =	vld.idx.msk [tilespmem:v9+s14+$0x0], $0xffff;
	v9 =	vand.u32 $0x7F, v43;
	v59 =	vor.u32 v44, v30  }
0x116: {  	v22 =	vld.idx.msk [tilespmem:v22+s14+$0x0], $0xffff;
	v47 =	vand.u32 $0xFFFFFF00, v23;
	v23 =	vshll.u32 v26, $0x1;
	v60 =	vor.u32 v46, v50  }
0x117: {  	v25 =	vld.idx.msk [tilespmem:v10+s14+$0x0], $0xffff;
	v9 =	vor.u32 v55, v9;
	v51 =	vand.u32 $0xFFFFFF00, v23;
	v23 =	vshll.u32 v27, $0x1  }
0x118: {  	v43 =	vand.u32 $0x7F, v28;
	v27 =	vshll.u32 v48, $0x1;
	v53 =	vand.u32 $0xFFFFFF00, v23;
	v23 =	vld.idx.msk [tilespmem:v14+s14+$0x0], $0xffff  }
0x119: {  	v9 =	vor.u32 v7, v9;
	v14 =	vand.u32 $0x7F, v26;
	v48 =	vand.u32 $0xFFFFFF00, v27;
	v27 =	vld.idx.msk [tilespmem:v12+s14+$0x0], $0xffff  }
0x11a: {  	v26 =	vshll.u32 v28, $0x1;
	v12 =	vor.u32 v29, v61;
	v28 =	vld.idx.msk [tilespmem:v13+s14+$0x0], $0xffff;
	v13 =	vor.u32 v39, v20  }
0x11b: {  	v29 =	vld.idx.msk [tilespmem:v15+s14+$0x0], $0xffff;
	v15 =	vor.u32 v41, v21;
	v61 =	vor.u32 v47, v52;
	v20 =	vor.u32 v7, v57  }
0x11c: {  	v10 =	vand.u32 $0xFFFFFF00, v26;
	v26 =	vld.idx.msk [tilespmem:v11+s14+$0x0], $0xffff;
	v11 =	vshll.u32 v49, $0x1;
	v63 =	vor.u32 v53, v54  }
0x11d: {  	v31 =	vld.idx.msk [tilespmem:v17+s14+$0x0], $0xffff;
	v21 =	vor.u32 v7, v12;
	v38 =	vor.u32 v48, v56;
	v17 =	vor.u32 v7, v13  }
0x11e: {  	v30 =	vld.idx.msk [tilespmem:v16+s14+$0x0], $0xffff;
	v16 =	vor.u32 v7, v15;
	v15 =	vor.u32 v7, v58;
	v13 =	vor.u32 v7, v60  }
0x11f: {  	s29 =	simm.s32 $0x1;
	s26 =	smov.u32 s22;
	s2 =	sshll.u32 s25, $0x7;
	v36 =	vld.idx.msk [tilespmem:v36+s14+$0x0], $0xffff;
	v12 =	vor.u32 v7, v61;
	v11 =	vand.u32 $0xFFFFFF00, v11;
	v43 =	vor.u32 v10, v43  }
0x120: {  	s3 =	sand.u32 $0xFFFFF000, s25;
	s2 =	sand.u32 $0x80, s2;
	s31 =	sadd.s32 $0x200, s30;
	v37 =	vld.idx.msk [tilespmem:v37+s14+$0x0], $0xffff;
	v10 =	vor.u32 v7, v63;
	v8 =	vor.u32 v11, v8;
	v11 =	vor.u32 v62, v40  }
0x121: {  	s29 =	simm.s32 @!p4 $0x0;
	s2 =	sor.u32 s2, s3;
	s26 =	smov.u32 @p3 s21;
	[tilespmem:s31+$0x70] =	vst v22;
	v62 =	vor.u32 v51, v14;
	v14 =	vor.u32 v7, v59;
	v22 =	vor.u32 v7, v8  }
0x122: {  	s28 =	sadd.s32 $0x19080, s2;
	s0 =	simm.s32 $0x10;
	s1 =	sadd.s32 $0x200, s15;
	v33 =	vld.idx.msk [tilespmem:v19+s14+$0x0], $0xffff;
	v18 =	vor.u32 v7, v11;
	v11 =	vor.u32 v7, v62;
	v8 =	vor.u32 v7, v43  }
.LBB2_14:
0x123: {  	v39 =	vld [tilespmem:s1+$0x70];
	s0 =	sadd.s32 $0x10, s0;
	v19 =	vor.u32 v7, v38;
	[tilespmem:s30+$0xFFFFFF00] =	vst v23  }
0x124: {  	v23 =	vld [tilespmem:s1+$0xFFFFFF10];
	p3 =	slt.u32 s0, $0x70;
	[tilespmem:s30+$0xFFFFFF10] =	vst v24  }
0x125: {  	v24 =	vld [tilespmem:s1+$0xFFFFFF20];
	[tilespmem:s30+$0xFFFFFF20] =	vst v25  }
0x126: {  	v25 =	vld [tilespmem:s1+$0xFFFFFF30];
	[tilespmem:s30+$0xFFFFFF30] =	vst v26  }
0x127: {  	v26 =	vld [tilespmem:s1+$0xFFFFFF40];
	[tilespmem:s30+$0xFFFFFF40] =	vst v27  }
0x128: {  	v27 =	vld [tilespmem:s1+$0xFFFFFF50];
	v38 =	vshll.u32 v39, $0x1;
	[tilespmem:s30+$0xFFFFFF50] =	vst v28  }
0x129: {  	v39 =	vand.u32 $0x7F, v39;
	v28 =	vshll.u32 v23, $0x1;
	v40 =	vld [tilespmem:s1+$0xFFFFFF60];
	v38 =	vand.u32 $0xFFFFFF00, v38;
	[tilespmem:s30+$0xFFFFFF60] =	vst v29  }
0x12a: {  	v28 =	vand.u32 $0xFFFFFF00, v28;
	v29 =	vshll.u32 v24, $0x1;
	v41 =	vld [tilespmem:s1+$0xFFFFFF70];
	v38 =	vor.u32 v38, v39;
	[tilespmem:s30+$0xFFFFFF70] =	vst v30  }
0x12b: {  	v29 =	vand.u32 $0xFFFFFF00, v29;
	v30 =	vshll.u32 v25, $0x1;
	v39 =	vld [tilespmem:s1+$0x0];
	v38 =	vor.u32 v7, v38;
	[tilespmem:s30+$0x0] =	vst v31  }
0x12c: {  	v31 =	vand.u32 $0x7F, v23;
	v30 =	vand.u32 $0xFFFFFF00, v30;
	v23 =	vshll.u32 v26, $0x1;
	v42 =	vld [tilespmem:s1+$0x10];
	[tilespmem:s30+$0x10] =	vst v32  }
0x12d: {  	v32 =	vand.u32 $0x7F, v24;
	v43 =	vand.u32 $0xFFFFFF00, v23;
	v23 =	vshll.u32 v27, $0x1;
	v24 =	vld [tilespmem:s1+$0x20];
	[tilespmem:s30+$0x20] =	vst v33  }
0x12e: {  	v33 =	vand.u32 $0x7F, v25;
	v44 =	vand.u32 $0xFFFFFF00, v23;
	v23 =	vshll.u32 v40, $0x1;
	v25 =	vld [tilespmem:s1+$0x30];
	[tilespmem:s30+$0x30] =	vst v34  }
0x12f: {  	v34 =	vand.u32 $0x7F, v26;
	v45 =	vand.u32 $0xFFFFFF00, v23;
	v23 =	vshll.u32 v41, $0x1;
	v26 =	vld [tilespmem:s1+$0x40];
	[tilespmem:s30+$0x40] =	vst v35  }
0x130: {  	v35 =	vand.u32 $0x7F, v27;
	v46 =	vand.u32 $0xFFFFFF00, v23;
	v23 =	vshll.u32 v39, $0x1;
	v27 =	vld.idx.msk [tilespmem:v38+s14+$0x0], $0xffff;
	[tilespmem:s30+$0x50] =	vst v36  }
0x131: {  	v36 =	vand.u32 $0x7F, v40;
	v38 =	vand.u32 $0xFFFFFF00, v23;
	v23 =	vshll.u32 v42, $0x1;
	v40 =	vld [tilespmem:s1+$0x50];
	[tilespmem:s30+$0x60] =	vst v37;
	s30 =	smov.u32 s31  }
0x132: {  	v37 =	vand.u32 $0x7F, v41;
	v41 =	vand.u32 $0xFFFFFF00, v23;
	v23 =	vshll.u32 v24, $0x1;
	v47 =	vld [tilespmem:s1+$0x60]  }
0x133: {  	v39 =	vand.u32 $0x7F, v39;
	v48 =	vld [tilespmem:s1+$0xFFFFFF00];
	v49 =	vand.u32 $0xFFFFFF00, v23;
	v23 =	vshll.u32 v25, $0x1  }
0x134: {  	v42 =	vand.u32 $0x7F, v42;
	v50 =	vand.u32 $0xFFFFFF00, v23;
	v51 =	vshll.u32 v26, $0x1;
	v23 =	vld.idx.msk [tilespmem:v22+s14+$0x0], $0xffff  }
0x135: {  	s31 =	sadd.s32 $0x200, s31;
	v52 =	vand.u32 $0x7F, v25;
	v22 =	vand.u32 $0x7F, v24;
	v51 =	vand.u32 $0xFFFFFF00, v51;
	v24 =	vld.idx.msk [tilespmem:v21+s14+$0x0], $0xffff  }
0x136: {  	v21 =	vand.u32 $0x7F, v26;
	v53 =	vand.u32 $0x7F, v40;
	v26 =	vshll.u32 v40, $0x1;
	[tilespmem:s31+$0x70] =	vst v27;
	v25 =	vld.idx.msk [tilespmem:v20+s14+$0x0], $0xffff  }
0x137: {  	v20 =	vand.u32 $0xFFFFFF00, v26;
	v40 =	vand.u32 $0x7F, v47;
	v27 =	vshll.u32 v47, $0x1;
	v26 =	vld.idx.msk [tilespmem:v18+s14+$0x0], $0xffff  }
0x138: {  	v18 =	vand.u32 $0x7F, v48;
	v47 =	vshll.u32 v48, $0x1;
	v48 =	vand.u32 $0xFFFFFF00, v27;
	v27 =	vld.idx.msk [tilespmem:v17+s14+$0x0], $0xffff  }
0x139: {  	v54 =	vor.u32 v29, v32;
	v17 =	vand.u32 $0xFFFFFF00, v47;
	v47 =	vor.u32 v28, v31;
	v28 =	vld.idx.msk [tilespmem:v16+s14+$0x0], $0xffff  }
0x13a: {  	v34 =	vor.u32 v43, v34;
	v16 =	vor.u32 v17, v18;
	v17 =	vor.u32 v30, v33;
	v29 =	vld.idx.msk [tilespmem:v15+s14+$0x0], $0xffff  }
0x13b: {  	v15 =	vor.u32 v44, v35;
	v35 =	vor.u32 v45, v36;
	v36 =	vor.u32 v46, v37;
	v30 =	vld.idx.msk [tilespmem:v14+s14+$0x0], $0xffff  }
0x13c: {  	v37 =	vor.u32 v38, v39;
	v39 =	vor.u32 v41, v42;
	v41 =	vor.u32 v49, v22;
	v31 =	vld.idx.msk [tilespmem:v13+s14+$0x0], $0xffff  }
0x13d: {  	v43 =	vor.u32 v51, v21;
	v42 =	vor.u32 v50, v52;
	v44 =	vor.u32 v20, v53;
	v32 =	vld.idx.msk [tilespmem:v12+s14+$0x0], $0xffff  }
.Ltmp13:
0x13e: {  	v21 =	vor.u32 v7, v47;
	v38 =	vor.u32 v48, v40;
	v22 =	vor.u32 v7, v16;
	v33 =	vld.idx.msk [tilespmem:v11+s14+$0x0], $0xffff;
	(pc) =	sbr.rel @p3 .LBB2_14-.Ltmp13, $4  }
0x13f: {  	v20 =	vor.u32 v7, v54;
	v18 =	vor.u32 v7, v17;
	v17 =	vor.u32 v7, v34;
	v34 =	vld.idx.msk [tilespmem:v10+s14+$0x0], $0xffff  }
0x140: {  	v16 =	vor.u32 v7, v15;
	v15 =	vor.u32 v7, v35;
	v14 =	vor.u32 v7, v36;
	v35 =	vld.idx.msk [tilespmem:v9+s14+$0x0], $0xffff  }
0x141: {  	v13 =	vor.u32 v7, v37;
	v12 =	vor.u32 v7, v39;
	v11 =	vor.u32 v7, v41;
	v36 =	vld.idx.msk [tilespmem:v8+s14+$0x0], $0xffff  }
0x142: {  	s1 =	sadd.s32 $0x200, s1;
	v10 =	vor.u32 v7, v42;
	v9 =	vor.u32 v7, v43;
	v8 =	vor.u32 v7, v44;
	v37 =	vld.idx.msk [tilespmem:v19+s14+$0x0], $0xffff  }
0x143: {  	[tilespmem:s30+$0xFFFFFF00] =	vst v23  }
0x144: {  	[tilespmem:s30+$0xFFFFFF10] =	vst v24  }
0x145: {  	[tilespmem:s30+$0xFFFFFF20] =	vst v25  }
0x146: {  	[tilespmem:s30+$0xFFFFFF30] =	vst v26  }
0x147: {  	[tilespmem:s30+$0xFFFFFF40] =	vst v27  }
0x148: {  	[tilespmem:s30+$0xFFFFFF50] =	vst v28  }
0x149: {  	[tilespmem:s30+$0xFFFFFF60] =	vst v29  }
0x14a: {  	[tilespmem:s30+$0xFFFFFF70] =	vst v30  }
0x14b: {  	[tilespmem:s30+$0x0] =	vst v31  }
0x14c: {  	[tilespmem:s30+$0x10] =	vst v32  }
0x14d: {  	[tilespmem:s30+$0x20] =	vst v33;
	v19 =	vld.idx.msk [tilespmem:v22+s14+$0x0], $0xffff  }
0x14e: {  	v21 =	vld.idx.msk [tilespmem:v21+s14+$0x0], $0xffff;
	[tilespmem:s30+$0x30] =	vst v34  }
0x14f: {  	v20 =	vld.idx.msk [tilespmem:v20+s14+$0x0], $0xffff;
	[tilespmem:s30+$0x40] =	vst v35  }
0x150: {  	v18 =	vld.idx.msk [tilespmem:v18+s14+$0x0], $0xffff;
	[tilespmem:s30+$0x50] =	vst v36  }
0x151: {  	v8 =	vld.idx.msk [tilespmem:v8+s14+$0x0], $0xffff;
	[tilespmem:s30+$0x60] =	vst v37  }
0x152: {  	v17 =	vld.idx.msk [tilespmem:v17+s14+$0x0], $0xffff;
	[tilespmem:s31+$0xFFFFFF00] =	vst v19  }
0x153: {  	v16 =	vld.idx.msk [tilespmem:v16+s14+$0x0], $0xffff;
	[tilespmem:s31+$0xFFFFFF10] =	vst v21  }
0x154: {  	v15 =	vld.idx.msk [tilespmem:v15+s14+$0x0], $0xffff;
	[tilespmem:s31+$0xFFFFFF20] =	vst v20  }
0x155: {  	v14 =	vld.idx.msk [tilespmem:v14+s14+$0x0], $0xffff;
	[tilespmem:s31+$0xFFFFFF30] =	vst v18  }
0x156: {  	v13 =	vld.idx.msk [tilespmem:v13+s14+$0x0], $0xffff;
	v62 =	vor.u32 v7, v38;
	[tilespmem:s31+$0x50] =	vst v8;
	v8 =	vmov s29  }
0x157: {  	v12 =	vld.idx.msk [tilespmem:v12+s14+$0x0], $0xffff;
	[tilespmem:s31+$0xFFFFFF40] =	vst v17;
	vm2 =	veq.s32 v8, v2  }
0x158: {  	v11 =	vld.idx.msk [tilespmem:v11+s14+$0x0], $0xffff;
	[tilespmem:s31+$0xFFFFFF50] =	vst v16;
	vm2 =	vmand vm1, vm2  }
0x159: {  	v10 =	vld.idx.msk [tilespmem:v10+s14+$0x0], $0xffff;
	[tilespmem:s31+$0xFFFFFF60] =	vst v15;
	v8 =	vsel vm2, $0x1, v0  }
0x15a: {  	v9 =	vld.idx.msk [tilespmem:v9+s14+$0x0], $0xffff;
	[tilespmem:s31+$0xFFFFFF70] =	vst v14;
	(xrf0) =	vadd.scan.msk.s32 $0xffff, v8  }
0x15b: {  	p3 =	slt.s32 s26, $0x1;
	[tilespmem:s31+$0x0] =	vst v13;
	v63 =	vld.idx.msk [tilespmem:v62+s14+$0x0], $0xffff  }
.Ltmp14:
0x15c: {  	[tilespmem:s31+$0x10] =	vst v12;
	(pc) =	sbr.rel @p3 .LBB2_21-.Ltmp14, $4  }
0x15d: {  	[tilespmem:s31+$0x20] =	vst v11  }
0x15e: {  	[tilespmem:s31+$0x30] =	vst v10  }
0x15f: {  	[tilespmem:s31+$0x40] =	vst v9  }
0x160: {  	[tilespmem:s31+$0x60] =	vst v63;
	v8, _, _ =	vpop (xrf0)  }
0x161: {  	s3 =	sadd.s32 $0x200, s28  }
0x162: {  	v8 =	vadd.s32 $0xFFFFFFFF, v8;
	[dreg:$0x8] =	wrdreg s3;
	s3 =	simm.s32 $0x0  }
0x163: {  	vm3 =	veq.s32 v8, s3  }
0x164: {  	vm3 =	vmand vm2, vm3  }
0x165: {  	v9 =	vnsel vm3, $0x7FFFFFFF, v3  }
0x166: {  	(xrf0) =	vmax.scan.msk.u32 $0xffff, v9;
	_ =	sdelay $0x5  }
0x167: {  	v9, _, _ =	vpop (xrf0)  }
0x168: {  	(v2sf) =	vpush v9, $0xF;
	_ =	sdelay $0x7  }
0x169: {  	s0 =	sadd.s32 $0x100, s28;
	s7 =	sadd.s32 $0x300, s28;
	s8 =	sadd.s32 $0x400, s28  }
0x16a: {  	s9 =	sadd.s32 $0x500, s28;
	s10 =	sadd.s32 $0x600, s28;
	[dreg:$0x7] =	wrdreg s0  }
0x16b: {  	s11 =	sadd.s32 $0x700, s28;
	s2 =	sadd.s32 $0xB00, s28;
	[dreg:$0x9] =	wrdreg s7  }
0x16c: {  	s1 =	sadd.s32 $0xC00, s28;
	p4 =	sne.s32 s26, $0x1;
	[dreg:$0xa] =	wrdreg s8  }
.Ltmp15:
0x16d: {  	s30 =	sadd.s32 $0xD00, s28;
	[dreg:$0xb] =	wrdreg s9;
	(pc) =	sbr.rel @!p4 .LBB2_17-.Ltmp15, $4  }
0x16e: {  	s31 =	sadd.s32 $0xE00, s28;
	s29 =	sadd.s32 $0xF00, s28;
	[dreg:$0xc] =	wrdreg s10  }
0x16f: {  	p3 =	por $0x0, $0x0;
	[dreg:$0xd] =	wrdreg s11;
	s7 =	sadd.s32 $0x800, s28  }
0x170: {  	s11 =	sadd.s32 $0x900, s28;
	s0 =	sadd.s32 $0xA00, s28;
	s15 =	spop (v2sf)  }
0x171: {  	s9 =	simm.s32 $0x1;
	s10 =	rddreg [dreg:$0x6];
	s3 =	sshll.u32 s15, $0x11  }
0x172: {  	s3 =	sor.u32 s3, s10  }
0x173: {  	s3 =	sor.u32 s6, s3  }
0x174: {  	s8 =	rddreg [dreg:$0x5];
	vm3 =	veq.s32 v8, s9;
	s3 =	sshrl.u32 s3, $0x3  }
0x175: {  	vm3 =	vmand vm2, vm3;
	s8 =	sadd.s32 s8, s3  }
0x176: {  	v9 =	vnsel vm3, $0x7FFFFFFF, v3;
	[hbm4b:s8+s5] =	stream.linear.scatter [tilespmem:s28], [sflag:$0x2], $0x80, $0x38;
	[tilespmem:$0x1A080] =	vst v63  }
0x177: {  	s3 =	rddreg [dreg:$0x7];
	(xrf0) =	vmax.scan.msk.u32 $0xffff, v9;
	s15 =	sadd.s32 $0x80, s8  }
0x178: {  	[hbm4b:s15+s5] =	stream.linear.scatter [tilespmem:s3], [sflag:$0x2], $0x80, $0x38;
	[tilespmem:$0x1A080] =	vst v63  }
0x179: {  	s10 =	rddreg [dreg:$0x8];
	s15 =	sadd.s32 $0x100, s8  }
0x17a: {  	[hbm4b:s15+s5] =	stream.linear.scatter [tilespmem:s10], [sflag:$0x2], $0x80, $0x38;
	[tilespmem:$0x1A080] =	vst v63  }
0x17b: {  	s9 =	rddreg [dreg:$0x9];
	s15 =	sadd.s32 $0x180, s8  }
0x17c: {  	[hbm4b:s15+s5] =	stream.linear.scatter [tilespmem:s9], [sflag:$0x2], $0x80, $0x38;
	[tilespmem:$0x1A080] =	vst v63  }
0x17d: {  	s10 =	rddreg [dreg:$0xa];
	v9, _, _ =	vpop (xrf0);
	s15 =	sadd.s32 $0x200, s8  }
0x17e: {  	(v2sf) =	vpush v9, $0xF;
	[hbm4b:s15+s5] =	stream.linear.scatter [tilespmem:s10], [sflag:$0x2], $0x80, $0x38;
	[tilespmem:$0x1A080] =	vst v63  }
0x17f: {  	s9 =	rddreg [dreg:$0xb];
	s15 =	sadd.s32 $0x280, s8  }
0x180: {  	[hbm4b:s15+s5] =	stream.linear.scatter [tilespmem:s9], [sflag:$0x2], $0x80, $0x38;
	[tilespmem:$0x1A080] =	vst v63  }
0x181: {  	s10 =	rddreg [dreg:$0xc];
	s15 =	sadd.s32 $0x300, s8  }
0x182: {  	[hbm4b:s15+s5] =	stream.linear.scatter [tilespmem:s10], [sflag:$0x2], $0x80, $0x38;
	[tilespmem:$0x1A080] =	vst v63  }
0x183: {  	s9 =	rddreg [dreg:$0xd];
	s15 =	sadd.s32 $0x380, s8  }
0x184: {  	[hbm4b:s15+s5] =	stream.linear.scatter [tilespmem:s9], [sflag:$0x2], $0x80, $0x38;
	[tilespmem:$0x1A080] =	vst v63  }
0x185: {  	s9 =	sadd.s32 $0x400, s8  }
0x186: {  	[hbm4b:s9+s5] =	stream.linear.scatter [tilespmem:s7], [sflag:$0x2], $0x80, $0x38;
	[tilespmem:$0x1A080] =	vst v63  }
0x187: {  	s10 =	sadd.s32 $0x480, s8  }
0x188: {  	[hbm4b:s10+s5] =	stream.linear.scatter [tilespmem:s11], [sflag:$0x2], $0x80, $0x38;
	[tilespmem:$0x1A080] =	vst v63  }
0x189: {  	p4 =	sne.s32 s26, $0x2;
	s15 =	sadd.s32 $0x500, s8  }
0x18a: {  	[hbm4b:s15+s5] =	stream.linear.scatter [tilespmem:s0], [sflag:$0x2], $0x80, $0x38;
	[tilespmem:$0x1A080] =	vst v63  }
.Ltmp16:
0x18b: {  	p3 =	por $0x1, $0x1;
	s9 =	sadd.s32 $0x580, s8;
	(pc) =	sbr.rel @!p4 .LBB2_20-.Ltmp16, $4  }
0x18c: {  	[hbm4b:s9+s5] =	stream.linear.scatter [tilespmem:s2], [sflag:$0x2], $0x80, $0x38;
	[tilespmem:$0x1A080] =	vst v63  }
0x18d: {  	s10 =	sadd.s32 $0x600, s8;
	s15 =	spop (v2sf);
	s9 =	simm.s32 $0x2  }
0x18e: {  	[hbm4b:s10+s5] =	stream.linear.scatter [tilespmem:s1], [sflag:$0x2], $0x80, $0x38;
	[tilespmem:$0x1A080] =	vst v63  }
0x18f: {  	s3 =	sshll.u32 s15, $0x11;
	s15 =	sadd.s32 $0x680, s8;
	s10 =	rddreg [dreg:$0x6]  }
.LBB2_19:
0x190: {  	[hbm4b:s15+s5] =	stream.linear.scatter [tilespmem:s30], [sflag:$0x2], $0x80, $0x38;
	[tilespmem:$0x1A080] =	vst v63  }
0x191: {  	s3 =	sor.u32 s3, s10  }
0x192: {  	s15 =	smov.u32 s9;
	s10 =	sadd.s32 $0x700, s8;
	s3 =	sor.u32 s6, s3  }
0x193: {  	[hbm4b:s10+s5] =	stream.linear.scatter [tilespmem:s31], [sflag:$0x2], $0x80, $0x38;
	[tilespmem:$0x1A080] =	vst v63  }
0x194: {  	s8 =	sadd.s32 $0x780, s8;
	s10 =	rddreg [dreg:$0x5];
	s3 =	sshrl.u32 s3, $0x3  }
0x195: {  	vm3 =	veq.s32 v8, s15;
	[hbm4b:s8+s5] =	stream.linear.scatter [tilespmem:s29], [sflag:$0x2], $0x80, $0x38;
	[tilespmem:$0x1A080] =	vst v63  }
0x196: {  	vm3 =	vmand vm2, vm3;
	s8 =	sadd.s32 s10, s3  }
0x197: {  	v9 =	vnsel vm3, $0x7FFFFFFF, v3;
	[hbm4b:s8+s5] =	stream.linear.scatter [tilespmem:s28], [sflag:$0x2], $0x80, $0x38;
	[tilespmem:$0x1A080] =	vst v63  }
0x198: {  	s3 =	rddreg [dreg:$0x7];
	(xrf0) =	vmax.scan.msk.u32 $0xffff, v9;
	s10 =	sadd.s32 $0x80, s8  }
0x199: {  	[hbm4b:s10+s5] =	stream.linear.scatter [tilespmem:s3], [sflag:$0x2], $0x80, $0x38;
	[tilespmem:$0x1A080] =	vst v63  }
0x19a: {  	s15 =	rddreg [dreg:$0x8];
	s3 =	sadd.s32 $0x100, s8  }
0x19b: {  	[hbm4b:s3+s5] =	stream.linear.scatter [tilespmem:s15], [sflag:$0x2], $0x80, $0x38;
	[tilespmem:$0x1A080] =	vst v63  }
0x19c: {  	s10 =	rddreg [dreg:$0x9];
	s3 =	sadd.s32 $0x180, s8  }
0x19d: {  	[hbm4b:s3+s5] =	stream.linear.scatter [tilespmem:s10], [sflag:$0x2], $0x80, $0x38;
	[tilespmem:$0x1A080] =	vst v63  }
0x19e: {  	s15 =	rddreg [dreg:$0xa];
	v9, _, _ =	vpop (xrf0);
	s3 =	sadd.s32 $0x200, s8  }
0x19f: {  	(v2sf) =	vpush v9, $0xF;
	[hbm4b:s3+s5] =	stream.linear.scatter [tilespmem:s15], [sflag:$0x2], $0x80, $0x38;
	[tilespmem:$0x1A080] =	vst v63  }
0x1a0: {  	s10 =	rddreg [dreg:$0xb];
	s3 =	sadd.s32 $0x280, s8  }
0x1a1: {  	[hbm4b:s3+s5] =	stream.linear.scatter [tilespmem:s10], [sflag:$0x2], $0x80, $0x38;
	[tilespmem:$0x1A080] =	vst v63  }
0x1a2: {  	s15 =	rddreg [dreg:$0xc];
	s3 =	sadd.s32 $0x300, s8  }
0x1a3: {  	[hbm4b:s3+s5] =	stream.linear.scatter [tilespmem:s15], [sflag:$0x2], $0x80, $0x38;
	[tilespmem:$0x1A080] =	vst v63  }
0x1a4: {  	s10 =	rddreg [dreg:$0xd];
	s15 =	sadd.s32 $0x380, s8  }
0x1a5: {  	[hbm4b:s15+s5] =	stream.linear.scatter [tilespmem:s10], [sflag:$0x2], $0x80, $0x38;
	[tilespmem:$0x1A080] =	vst v63  }
0x1a6: {  	s10 =	sadd.s32 $0x400, s8  }
0x1a7: {  	[hbm4b:s10+s5] =	stream.linear.scatter [tilespmem:s7], [sflag:$0x2], $0x80, $0x38;
	[tilespmem:$0x1A080] =	vst v63  }
0x1a8: {  	s9 =	sadd.s32 $0x1, s9;
	s15 =	sadd.s32 $0x480, s8  }
0x1a9: {  	[hbm4b:s15+s5] =	stream.linear.scatter [tilespmem:s11], [sflag:$0x2], $0x80, $0x38;
	[tilespmem:$0x1A080] =	vst v63  }
0x1aa: {  	p4 =	sne.s32 s26, s9;
	s10 =	sadd.s32 $0x500, s8  }
0x1ab: {  	[hbm4b:s10+s5] =	stream.linear.scatter [tilespmem:s0], [sflag:$0x2], $0x80, $0x38;
	[tilespmem:$0x1A080] =	vst v63  }
.Ltmp17:
0x1ac: {  	s15 =	sadd.s32 $0x580, s8;
	(pc) =	sbr.rel @p4 .LBB2_19-.Ltmp17, $4  }
0x1ad: {  	[hbm4b:s15+s5] =	stream.linear.scatter [tilespmem:s2], [sflag:$0x2], $0x80, $0x38;
	[tilespmem:$0x1A080] =	vst v63  }
0x1ae: {  	s3 =	spop (v2sf);
	s15 =	sadd.s32 $0x600, s8  }
0x1af: {  	[hbm4b:s15+s5] =	stream.linear.scatter [tilespmem:s1], [sflag:$0x2], $0x80, $0x38;
	[tilespmem:$0x1A080] =	vst v63  }
0x1b0: {  	s10 =	rddreg [dreg:$0x6];
	s3 =	sshll.u32 s3, $0x11;
	s15 =	sadd.s32 $0x680, s8  }
.Ltmp18:
0x1b1: {  	_ = 	snop;
	(pc) =	sbr.rel .LBB2_20-.Ltmp18, $1  }
0x1b2: {  	_ =	sdelay $0x3  }
.LBB2_22:
0x1b3: {  	s0 =	sadd.s32 $0x2, s20  }
0x1b4: {  	p1 =	sge.s32 s0, s16  }
.Ltmp19:
0x1b5: {  	_ = 	snop;
	(pc) =	sbr.rel @p1 .LBB2_26-.Ltmp19, $1  }
0x1b6: {  	_ =	sdelay $0x3  }
0x1b7: {  	s0 =	sshll.u32 s0, $0x5  }
0x1b8: {  	s1 =	sshrl.u32 s0, $0x6  }
0x1b9: {  	vm1 =	veq.s32 v5, s1  }
0x1ba: {  	vm1 =	vmand vm0, vm1  }
0x1bb: {  	v7 =	vnsel vm1, $0x7FFFFFFF, v6  }
0x1bc: {  	(xrf0) =	vmax.scan.msk.u32 $0xffff, v7;
	_ =	sdelay $0x5  }
0x1bd: {  	v7, _, _ =	vpop (xrf0)  }
0x1be: {  	(v2sf) =	vpush v7, $0xF;
	_ =	sdelay $0xe  }
0x1bf: {  	s30 =	spop (v2sf)  }
0x1c0: {  	s0 =	sand.u32 $0x20, s0;
	s1 =	sshll.u32 s30, $0x6  }
0x1c1: {  	s0 =	sor.u32 s1, s0  }
0x1c2: {  	s0 =	sor.u32 s4, s0  }
0x1c3: {  	s0 =	sshrl.u32 s0, $0x3  }
0x1c4: {  	s0 =	smul.u32 $0x60000, s0  }
0x1c5: {  	s1 =	simm.s32 $0x1  }
0x1c6: {  	s1 =	simm.s32 @!p0 $0x0;
	s0 =	sor.u32 s6, s0  }
0x1c7: {  	s31 =	rddreg [dreg:$0x2];
	s1 =	sshll.u32 s1, $0x7;
	s2 =	sshrl.u32 s0, $0x3  }
0x1c8: {  	s0 =	sadd.s32 $0x1080, s1;
	s1 =	sadd.s32 s31, s2  }
0x1c9: {  	s2 =	simm.s32 $0x80;
	s3 =	sadd.s32 $0x100, s0;
	s7 =	sadd.s32 $0x0, s1  }
.LBB2_24:
0x1ca: {  	[tilespmem:s0], [sflag:$0x1] =	stream.linear.gather [hbm4b:s7+s5], $0x80, $0x38;
	[tilespmem:$0x1A080] =	vst v63  }
0x1cb: {  	s7 =	smov.u32 s2;
	s0 =	smov.u32 s3;
	p1 =	sne.s32 s2, $0xBF80  }
.Ltmp20:
0x1cc: {  	s2 =	sadd.s32 $0x80, s2;
	(pc) =	sbr.rel @p1 .LBB2_24-.Ltmp20, $2  }
0x1cd: {  	_ =	sdelay $0x2  }
0x1ce: {  	s3 =	sadd.s32 $0x100, s3;
	s7 =	sadd.s32 s7, s1  }
.Ltmp21:
0x1cf: {  	(pc) =	sbr.rel .LBB2_26-.Ltmp21, $2  }
0x1d0: {  	_ =	sdelay $0x2  }
0x1d1: {  	[tilespmem:s0], [sflag:$0x1] =	stream.linear.gather [hbm4b:s7+s5], $0x80, $0x38;
	[tilespmem:$0x1A080] =	vst v63  }
.LBB2_27:
0x1d2: {  	s0 =	sadd.s32 s18, s17  }
0x1d3: {  	p0 =	slt.s32 s0, $0x1  }
.Ltmp22:
0x1d4: {  	_ = 	snop;
	(pc) =	sbr.rel @p0 .LBB2_31-.Ltmp22, $2  }
0x1d5: {  	_ =	sdelay $0x2  }
0x1d6: {  	s9 =	rddreg [dreg:$0x11]  }
0x1d7: {  	p0 =	sne.s32 s0, $0x1  }
.Ltmp23:
0x1d8: {  	_ = 	snop;
	(pc) =	sbr.rel @!p0 .LBB2_30-.Ltmp23, $3  }
0x1d9: {  	_ =	sdelay $0x1  }
0x1da: {  	_ =	swait.ge [sflag:s13], $0x800  }
0x1db: {  	s0 =	sadd.s32 $0xFFFFFFFF, s0;
	[sflag:s13] =	ssyncset.done $0x0  }
.LBB2_29:
0x1dc: {  	p0 =	sne.s32 s0, $0x1;
	s0 =	sadd.s32 $0xFFFFFFFF, s0;
	[sflag:s13] =	ssyncadd.s32 $0xFFFFF800  }
.Ltmp24:
0x1dd: {  	(pc) =	sbr.rel @p0 .LBB2_29-.Ltmp24, $3  }
0x1de: {  	_ =	sdelay $0x1  }
0x1df: {  	_ =	swait.ge [sflag:s13], $0x800  }
0x1e0: {  	[sflag:s13] =	ssyncset.done $0x0  }
.Ltmp25:
0x1e1: {  	_ = 	snop;
	(pc) =	sbr.rel .LBB2_30-.Ltmp25, $1  }
0x1e2: {  	_ =	sdelay $0x3  }
.LBB2_32:
0x1e3: {  	_ =	sfence.sel $0x180000  }
0x1e4: {  	[bflag:$0x0] =	sbarrier.arrive $0xFFFF  }
0x1e5: {  	_ =	strace $0x90000047  }
0x1e6: {  	s0 =	stileid.u32;
	[bflag:$0x2] =	sbarrier.arrive $0xFFFF  }
0x1e7: {  	p0 =	sne.s32 s0, $0x0;
	s0 =	rddreg [dreg:$0x4]  }
0x1e8: {  	s0 =	sadd.s32 @!p0 $0x100000, s0  }
0x1e9: {  	[sflag:s0] =	ssyncadd.tile.s32 @!p0 $0x1;
	_ =	shalt  }
.Lfunc_end2:
_tile_overlayer_lowered:
.L_overlay_start_2:
0x1ea: {  	(tag) =	ssettag $0x2  }
0x1eb: {  	s0 =	rddreg [dreg:$0x0];
	s2 =	stileid.u32  }
0x1ec: {  	s1 =	rddreg [dreg:$0x1];
	p0 =	sne.s32 s2, $0x0  }
0x1ed: {  	s3 =	rddreg [dreg:$0x2];
	[bflag:$0x3] =	sbarrier.arrive $0xFFFF;
	s2 =	simm.s32 @!p0 $0x1C03  }
0x1ee: {  	[timem:s3], [sflag:s2] =	dma.local @!p0 [hbm:s0], s1  }
0x1ef: {  	s0 =	simm.s32 @!p0 $0x3  }
0x1f0: {  	_ =	swait.ge @!p0 [sflag:s0], s1  }
0x1f1: {  	s1 =	ssub.s32 @!p0 $0x0, s1;
	[sflag:s0] =	ssyncset.done @!p0 $0x0  }
0x1f2: {  	[sflag:s0] =	ssyncadd.s32 @!p0 s1  }
0x1f3: {  	[bflag:$0x3] =	sbarrier.arrive $0xFFFF  }
0x1f4: {  	_ =	shalt  }

</sc_bundles>
